<compile_context>
chip_gen: v7x
topology: tpu7x:2x2x1
jax: 0.10.2.dev20260603
libtpu: 0.0.44.dev20260713+nightly
codegen_flags: <defaults>
</compile_context>

<pallas_src>
import functools

import jax
import jax.numpy as jnp
from jax import lax
from jax.experimental import pallas as pl
from jax.experimental.pallas import tpu as pltpu
from jax.experimental.pallas import tpu_sc as plsc

NE = 10
LANES = 512
SUB = 8


def _gl_kernel(n, posF_ref, posT_ref, x2F_ref, x2T_ref, uT_ref, inv_ref,
               idx_ref, w_ref, ps_ref):
    ntile = n // 128
    j0 = pl.program_id(1)

    pall = posF_ref[0]
    prow = posT_ref[0]
    dotT = lax.dot_general(pall, prow, (((1,), (0,)), ((), ())),
                           precision='default',
                           preferred_element_type=jnp.float32)
    sqT = (x2F_ref[0] + x2T_ref[0]) - 2.0 * dotT
    cdT = jnp.sqrt(jnp.maximum(sqT, 1e-12))
    w2 = jnp.exp(-(cdT * inv_ref[0, 0]))
    jcol = lax.broadcasted_iota(jnp.int32, (n, LANES), 0)
    rglob = j0 * LANES + lax.broadcasted_iota(jnp.int32, (n, LANES), 1)
    wm = jnp.where(jcol == rglob, 0.0, w2)
    w_ref[0] = wm

    m = jnp.max(wm, axis=0)[None, None, :]

    ps_ref[...] = jnp.exp(wm.reshape(ntile, 128, LANES) - m)

    def _sm(v, acc):
        return acc + ps_ref[v // 16, pl.ds(SUB * (v % 16), SUB), :]
    sacc = lax.fori_loop(1, ntile * 16, _sm, ps_ref[0, 0:SUB, :])
    t = sacc[0:4, :] + sacc[4:8, :]
    t = t[0:2, :] + t[2:4, :]
    s = (t[0:1, :] + t[1:2, :])[None]

    ps_ref[...] = ps_ref[...] / s

    def _scan(i, _):
        ps_ref[:, pl.ds(i, 1), :] = (ps_ref[:, pl.ds(i - 1, 1), :]
                                     + ps_ref[:, pl.ds(i, 1), :])
        return 0
    lax.fori_loop(1, 128, _scan, 0)

    lasts = ps_ref[:, 127:128, :]
    offs = [jnp.zeros((1, 1, LANES), jnp.float32)]
    acc = lasts[0:1]
    for tt in range(1, ntile):
        offs.append(acc)
        if tt < ntile - 1:
            acc = acc + lasts[tt:tt + 1]
    ps_ref[...] = ps_ref[...] + jnp.concatenate(offs, axis=0)

    psv = ps_ref[...]
    for k in range(NE):
        ue = uT_ref[0, k:k + 1, :][None]
        cnt = jnp.sum(jnp.where(psv < ue, 1.0, 0.0), axis=(0, 1))
        idxv = jnp.clip(cnt.astype(jnp.int32), 0, n - 1)[None, :]
        idx_ref[0, k:k + 1, :] = idxv


def _make_sc_gather(total, n_elems):
    info = plsc.get_sparse_core_info()
    nw = info.num_cores * info.num_subcores
    perw = total // nw
    mesh = plsc.VectorSubcoreMesh(core_axis_name="c", subcore_axis_name="s")

    @functools.partial(
        pl.kernel, mesh=mesh,
        out_type=jax.ShapeDtypeStruct((total,), jnp.float32),
        scratch_types=[
            pltpu.VMEM((perw,), jnp.int32),
            pltpu.VMEM((perw,), jnp.float32),
            pltpu.SemaphoreType.DMA,
        ],
    )
    def _gather(wflat_hbm, fidx_hbm, out_hbm, idx_v, vals_v, sem):
        wid = lax.axis_index("s") * info.num_cores + lax.axis_index("c")
        base = wid * perw
        pltpu.sync_copy(fidx_hbm.at[pl.ds(base, perw)], idx_v)
        pltpu.async_copy(wflat_hbm.at[idx_v], vals_v, sem).wait()
        pltpu.sync_copy(vals_v, out_hbm.at[pl.ds(base, perw)])

    return _gather


def kernel(pos, batch, eps):
    B = 4
    N, d = pos.shape
    n = N // B
    pos_b = pos.reshape(B, n, d)
    posT = jnp.transpose(pos_b, (0, 2, 1))
    p0, p1, p2 = pos_b[..., 0], pos_b[..., 1], pos_b[..., 2]
    x2 = (p0 * p0 + p2 * p2) + p1 * p1
    x2F = x2[:, :, None]
    x2T = x2[:, None, :]
    inv = (1.0 / (eps[0] ** 2)).reshape(1, 1).astype(jnp.float32)
    u = jax.random.uniform(jax.random.key(42), (B, n, NE), dtype=jnp.float32)
    uT = jnp.transpose(u, (0, 2, 1))

    nb = n // LANES
    grid = (B, nb)
    idxT, wT = pl.pallas_call(
        functools.partial(_gl_kernel, n),
        grid=grid,
        in_specs=[
            pl.BlockSpec((1, n, 3), lambda b, j: (b, 0, 0)),
            pl.BlockSpec((1, 3, LANES), lambda b, j: (b, 0, j)),
            pl.BlockSpec((1, n, 1), lambda b, j: (b, 0, 0)),
            pl.BlockSpec((1, 1, LANES), lambda b, j: (b, 0, j)),
            pl.BlockSpec((1, NE, LANES), lambda b, j: (b, 0, j)),
            pl.BlockSpec((1, 1), lambda b, j: (0, 0)),
        ],
        out_specs=[
            pl.BlockSpec((1, NE, LANES), lambda b, j: (b, 0, j)),
            pl.BlockSpec((1, n, LANES), lambda b, j: (b, 0, j)),
        ],
        out_shape=[
            jax.ShapeDtypeStruct((B, NE, n), jnp.int32),
            jax.ShapeDtypeStruct((B, n, n), jnp.float32),
        ],
        scratch_shapes=[
            pltpu.VMEM((n // 128, 128, LANES), jnp.float32),
        ],
    )(pos_b, posT, x2F, x2T, uT, inv)

    riota = jnp.arange(n, dtype=jnp.int32)[None, None, :]
    fidx = (jnp.int32(n * n) * jnp.arange(B, dtype=jnp.int32)[:, None, None]
            + idxT * jnp.int32(n) + riota).reshape(-1)
    gather = _make_sc_gather(B * NE * n, n * n * B)
    attr_flat = gather(wT.reshape(-1), fidx)

    idx_target = jnp.transpose(idxT, (0, 2, 1))
    edge_attr = jnp.transpose(attr_flat.reshape(B, NE, n),
                              (0, 2, 1)).reshape(-1)
    offsets = (batch.reshape(B, n)[:, 0] * n)[:, None, None]
    idx_src = jnp.broadcast_to(jnp.arange(n)[:, None], (n, NE))
    ei_src = (idx_src[None, :, :] + offsets).reshape(-1)
    ei_dst = (idx_target + offsets).reshape(-1)
    edge_index = jnp.stack([ei_src, ei_dst], axis=0)
    return edge_index, edge_attr

# --- scband reference (transcript-rebuilt; emitter-appended) ---
"""Pipeline reference for scband-graph-learning-layer-42356967473552 (READ-ONLY COPY).

The authoritative reference and input builder live on the scoring server;
editing this copy changes nothing except your own understanding.
"""

import jax, jax.numpy as jnp
import numpy as np

NUM_EDGES = 10


def setup_inputs(seed: int = 0) -> dict:
    key = jax.random.key(seed)
    B, n, d = 4, 2048, 3
    pos = jax.random.normal(jax.random.fold_in(key, 0), (B * n, d), dtype=jnp.float32)
    batch = jnp.repeat(jnp.arange(B, dtype=jnp.int32), n)
    eps = jnp.ones((1,), dtype=jnp.float32)
    return {"pos": pos, "batch": batch, "eps": eps}


def reference(pos, batch, eps):
    # Equal-size graphs: B is static (setup_inputs always builds 4 graphs)
    B = 4
    N, d = pos.shape
    n = N // B
    pos_b = pos.reshape(B, n, d)
    # torch.cdist(pos, pos, 2) per graph (matmul formulation)
    x2 = jnp.sum(pos_b * pos_b, axis=-1)
    sq = x2[:, :, None] + x2[:, None, :] - 2.0 * jnp.einsum('bid,bjd->bij', pos_b, pos_b)
    cd = jnp.sqrt(jnp.maximum(sq, 1e-12))
    # W = exp(-cdist / eps^2)
    W = jnp.exp(-(cd / (eps[0] ** 2)))
    # zero out diagonal (self-loops)
    mask = 1.0 - jnp.eye(n, dtype=W.dtype)
    W = W * mask[None, :, :]
    # row-softmax and cumulative probabilities
    Ws = jax.nn.softmax(W, axis=-1)
    ps = jnp.cumsum(Ws, axis=-1)
    # sample NUM_EDGES targets per node via inverse-CDF (searchsorted)
    u = jax.random.uniform(jax.random.key(42), (B, n, NUM_EDGES), dtype=ps.dtype)
    idx_target = jax.vmap(jax.vmap(lambda row, uu: jnp.searchsorted(row, uu)))(ps, u)
    idx_target = jnp.clip(idx_target, 0, n - 1)
    # reference (source) indices, repeated NUM_EDGES times per node
    idx_ref = jnp.broadcast_to(jnp.arange(n)[:, None], (n, NUM_EDGES))
    # edge attributes: W[src, dst] per graph, row-major (i, e) order matches flatten
    edge_attr = jnp.take_along_axis(W, idx_target, axis=2).reshape(-1)
    # global node offsets per graph (Batch.from_data_list semantics)
    offsets = (batch.reshape(B, n)[:, 0] * n)[:, None, None]
    ei_src = (idx_ref[None, :, :] + offsets).reshape(-1)
    ei_dst = (idx_target + offsets).reshape(-1)
    edge_index = jnp.stack([ei_src, ei_dst], axis=0)
    return edge_index, edge_attr

if __name__ == "__main__":
    import jax
    _d = setup_inputs()
    print(jax.jit(kernel)(*tuple(_d.values())))

</pallas_src>

<mosaic_0001>
#map = affine_map<(d0, d1) -> (0)>
module attributes {stable_mosaic.version = 14 : i64} {
  func.func @_gather(%arg0: i32, %arg1: i32, %arg2: memref<16777216xf32, #tpu.memory_space<hbm>>, %arg3: memref<81920xi32, #tpu.memory_space<hbm>>, %arg4: memref<81920xf32, #tpu.memory_space<hbm>>, %arg5: memref<2560xi32, #tpu.memory_space<vmem>>, %arg6: memref<2560xf32, #tpu.memory_space<vmem>>, %arg7: memref<!tpu.dma_semaphore, #tpu.memory_space<semaphore_mem>>) attributes {dimension_semantics = [#tpu.dimension_semantics<core_parallel>, #tpu.dimension_semantics<subcore_parallel>], iteration_bounds = array<i64: 2, 16>, scalar_prefetch = 0 : i64, scratch_operands = 3 : i64, tpu.core_type = #tpu.core_type<sc_vector_subcore>, window_params = [{transform_indices = #map}, {transform_indices = #map}, {transform_indices = #map}]} {
    %mul3A = arith.constant 2 : i32
    %mul3A_0 = arith.muli %arg1, %mul3A : i32
    %add3A = arith.addi %mul3A_0, %arg0 : i32
    %mul3A_1 = arith.constant 2560 : i32
    %mul3A_2 = arith.muli %add3A, %mul3A_1 : i32
    "tpu.region"() ({
      %run_scoped3A = tpu.sem_alloc : memref<!tpu.dma_semaphore, #tpu.memory_space<semaphore_mem>>
      %dma_start3A_5 = tpu.memref_slice %arg3[%mul3A_2] : memref<81920xi32, #tpu.memory_space<hbm>> -> memref<2560xi32, #tpu.memory_space<hbm>>
      %dma_start3A_6 = tpu.memref_slice %arg3[%mul3A_2] : memref<81920xi32, #tpu.memory_space<hbm>> -> memref<2560xi32, #tpu.memory_space<hbm>>
      tpu.enqueue_dma source(%dma_start3A_6 : memref<2560xi32, #tpu.memory_space<hbm>>) target(%arg5 : memref<2560xi32, #tpu.memory_space<vmem>>) target_semaphore(%run_scoped3A : memref<!tpu.dma_semaphore, #tpu.memory_space<semaphore_mem>>)
      %dma_wait3A_7 = tpu.memref_slice %arg3[%mul3A_2] : memref<81920xi32, #tpu.memory_space<hbm>> -> memref<2560xi32, #tpu.memory_space<hbm>>
      %dma_wait3A_8 = tpu.memref_slice %arg3[%mul3A_2] : memref<81920xi32, #tpu.memory_space<hbm>> -> memref<2560xi32, #tpu.memory_space<hbm>>
      tpu.wait_dma2 semaphore(%run_scoped3A : memref<!tpu.dma_semaphore, #tpu.memory_space<semaphore_mem>>) src(%dma_wait3A_8 : memref<2560xi32, #tpu.memory_space<hbm>>) dst(%arg5 : memref<2560xi32, #tpu.memory_space<vmem>>)
      tpu.yield
    }) : () -> ()
    %dma_start3A = arith.constant 0 : i32
    %dma_start3A_3 = tpu.memref_slice %arg2[%dma_start3A] : memref<16777216xf32, #tpu.memory_space<hbm>> -> memref<16777216xf32, #tpu.memory_space<hbm>>
    tpu.enqueue_indirect_dma source(%dma_start3A_3 : memref<16777216xf32, #tpu.memory_space<hbm>>) target(%arg6 : memref<2560xf32, #tpu.memory_space<vmem>>) offsets(%arg5 : memref<2560xi32, #tpu.memory_space<vmem>>) semaphore(%arg7 : memref<!tpu.dma_semaphore, #tpu.memory_space<semaphore_mem>>)
    %dma_wait3A = arith.constant 0 : i32
    %dma_wait3A_4 = tpu.memref_slice %arg2[%dma_wait3A] : memref<16777216xf32, #tpu.memory_space<hbm>> -> memref<16777216xf32, #tpu.memory_space<hbm>>
    tpu.wait_indirect_dma semaphore(%arg7 : memref<!tpu.dma_semaphore, #tpu.memory_space<semaphore_mem>>) src(%dma_wait3A_4 : memref<16777216xf32, #tpu.memory_space<hbm>>) dst(%arg6 : memref<2560xf32, #tpu.memory_space<vmem>>)
    "tpu.region"() ({
      %run_scoped3A = tpu.sem_alloc : memref<!tpu.dma_semaphore, #tpu.memory_space<semaphore_mem>>
      %dma_start3A_5 = tpu.memref_slice %arg4[%mul3A_2] : memref<81920xf32, #tpu.memory_space<hbm>> -> memref<2560xf32, #tpu.memory_space<hbm>>
      %dma_start3A_6 = tpu.memref_slice %arg4[%mul3A_2] : memref<81920xf32, #tpu.memory_space<hbm>> -> memref<2560xf32, #tpu.memory_space<hbm>>
      tpu.enqueue_dma source(%arg6 : memref<2560xf32, #tpu.memory_space<vmem>>) target(%dma_start3A_6 : memref<2560xf32, #tpu.memory_space<hbm>>) target_semaphore(%run_scoped3A : memref<!tpu.dma_semaphore, #tpu.memory_space<semaphore_mem>>)
      %dma_wait3A_7 = tpu.memref_slice %arg4[%mul3A_2] : memref<81920xf32, #tpu.memory_space<hbm>> -> memref<2560xf32, #tpu.memory_space<hbm>>
      %dma_wait3A_8 = tpu.memref_slice %arg4[%mul3A_2] : memref<81920xf32, #tpu.memory_space<hbm>> -> memref<2560xf32, #tpu.memory_space<hbm>>
      tpu.wait_dma2 semaphore(%run_scoped3A : memref<!tpu.dma_semaphore, #tpu.memory_space<semaphore_mem>>) src(%arg6 : memref<2560xf32, #tpu.memory_space<vmem>>) dst(%dma_wait3A_8 : memref<2560xf32, #tpu.memory_space<hbm>>)
      tpu.yield
    }) : () -> ()
    return
  }
}

module attributes {stable_mosaic.version = 14 : i64} {
  func.func @_gl_kernel(%arg0: i32, %arg1: i32, %arg2: memref<1x2048x3xf32, #tpu.memory_space<vmem>>, %arg3: memref<1x3x512xf32, #tpu.memory_space<vmem>>, %arg4: memref<1x2048x1xf32, #tpu.memory_space<vmem>>, %arg5: memref<1x1x512xf32, #tpu.memory_space<vmem>>, %arg6: memref<1x10x512xf32, #tpu.memory_space<vmem>>, %arg7: memref<1x1xf32, #tpu.memory_space<vmem>>, %arg8: memref<1x10x512xi32, #tpu.memory_space<vmem>>, %arg9: memref<1x2048x512xf32, #tpu.memory_space<vmem>>, %arg10: memref<16x128x512xf32, #tpu.memory_space<vmem>>) attributes {dimension_semantics = [#tpu.dimension_semantics<arbitrary>, #tpu.dimension_semantics<arbitrary>], iteration_bounds = array<i64: 4, 4>, scalar_prefetch = 0 : i64, scratch_operands = 1 : i64, tpu.core_type = #tpu.core_type<tc>, window_params = [{transform_indices = @transform_0, window_bounds = array<i64: 1, 2048, 3>}, {transform_indices = @transform_1, window_bounds = array<i64: 1, 3, 512>}, {transform_indices = @transform_2, window_bounds = array<i64: 1, 2048, 1>}, {transform_indices = @transform_3, window_bounds = array<i64: 1, 1, 512>}, {transform_indices = @transform_4, window_bounds = array<i64: 1, 10, 512>}, {pipeline_mode = #tpu.pipeline_mode<synchronous>, transform_indices = @transform_5, window_bounds = array<i64: 1, 1>}, {transform_indices = @transform_6, window_bounds = array<i64: 1, 10, 512>}, {transform_indices = @transform_7, window_bounds = array<i64: 1, 2048, 512>}]} {
    %get3A = arith.constant 0 : index
    %get3A_0 = arith.constant 0 : index
    %get3A_1 = arith.constant 0 : index
    %get3A_2 = vector.load %arg2[%get3A, %get3A_0, %get3A_1] : memref<1x2048x3xf32, #tpu.memory_space<vmem>>, vector<1x2048x3xf32>
    %get3A_3 = vector.shape_cast %get3A_2 : vector<1x2048x3xf32> to vector<2048x3xf32>
    %get3A_4 = arith.constant 0 : index
    %get3A_5 = arith.constant 0 : index
    %get3A_6 = arith.constant 0 : index
    %get3A_7 = vector.load %arg3[%get3A_4, %get3A_5, %get3A_6] : memref<1x3x512xf32, #tpu.memory_space<vmem>>, vector<1x3x512xf32>
    %get3A_8 = vector.shape_cast %get3A_7 : vector<1x3x512xf32> to vector<3x512xf32>
    %dot_general3A = arith.constant dense<0.000000e+00> : vector<2048x512xf32>
    %dot_general3A_9 = tpu.matmul %get3A_3, %get3A_8, %dot_general3A {dimension_numbers = #tpu.dot_dimension_numbers<[1], [0], [0], [1], [0, 0, 1, 1], [], []>, transpose_lhs_hint = false} : vector<2048x3xf32>, vector<3x512xf32>, vector<2048x512xf32> -> vector<2048x512xf32>
    %get3A_10 = arith.constant 0 : index
    %get3A_11 = arith.constant 0 : index
    %get3A_12 = arith.constant 0 : index
    %get3A_13 = vector.load %arg4[%get3A_10, %get3A_11, %get3A_12] : memref<1x2048x1xf32, #tpu.memory_space<vmem>>, vector<1x2048x1xf32>
    %get3A_14 = vector.shape_cast %get3A_13 : vector<1x2048x1xf32> to vector<2048x1xf32>
    %get3A_15 = arith.constant 0 : index
    %get3A_16 = arith.constant 0 : index
    %get3A_17 = arith.constant 0 : index
    %get3A_18 = vector.load %arg5[%get3A_15, %get3A_16, %get3A_17] : memref<1x1x512xf32, #tpu.memory_space<vmem>>, vector<1x1x512xf32>
    %get3A_19 = vector.shape_cast %get3A_18 : vector<1x1x512xf32> to vector<1x512xf32>
    %add3A = vector.broadcast %get3A_14 : vector<2048x1xf32> to vector<2048x512xf32>
    %add3A_20 = vector.broadcast %get3A_19 : vector<1x512xf32> to vector<2048x512xf32>
    %add3A_21 = arith.addf %add3A, %add3A_20 : vector<2048x512xf32>
    %mul3A = arith.constant 2.000000e+00 : f32
    %mul3A_22 = vector.broadcast %mul3A : f32 to vector<2048x512xf32>
    %mul3A_23 = arith.mulf %mul3A_22, %dot_general3A_9 : vector<2048x512xf32>
    %sub3A = arith.subf %add3A_21, %mul3A_23 : vector<2048x512xf32>
    %max3A = arith.constant 9.99999996E-13 : f32
    %max3A_24 = vector.broadcast %max3A : f32 to vector<2048x512xf32>
    %max3A_25 = arith.maximumf %sub3A, %max3A_24 : vector<2048x512xf32>
    %sqrt3A = math.sqrt %max3A_25 : vector<2048x512xf32>
    %get3A_26 = arith.constant 0 : index
    %get3A_27 = arith.constant 0 : index
    %get3A_28 = vector.load %arg7[%get3A_26, %get3A_27] : memref<1x1xf32, #tpu.memory_space<vmem>>, vector<1x1xf32>
    %get3A_29 = vector.extract %get3A_28[0, 0] : f32 from vector<1x1xf32>
    %mul3A_30 = vector.broadcast %get3A_29 : f32 to vector<2048x512xf32>
    %mul3A_31 = arith.mulf %sqrt3A, %mul3A_30 : vector<2048x512xf32>
    %neg3A = arith.constant 0.000000e+00 : f32
    %neg3A_32 = vector.broadcast %neg3A : f32 to vector<2048x512xf32>
    %neg3A_33 = arith.subf %neg3A_32, %mul3A_31 : vector<2048x512xf32>
    %exp3A = math.exp %neg3A_33 : vector<2048x512xf32>
    %iota3A = tpu.iota {dimensions = array<i32: 0>} : vector<2048x512xi32>
    %mul3A_34 = arith.constant 512 : i32
    %mul3A_35 = arith.muli %arg1, %mul3A_34 : i32
    %iota3A_36 = tpu.iota {dimensions = array<i32: 1>} : vector<2048x512xi32>
    %add3A_37 = vector.broadcast %mul3A_35 : i32 to vector<2048x512xi32>
    %add3A_38 = arith.addi %add3A_37, %iota3A_36 : vector<2048x512xi32>
    %eq3A = arith.cmpi eq, %iota3A, %add3A_38 : vector<2048x512xi32>
    %jit3A = arith.constant 0.000000e+00 : f32
    %broadcast_in_dim3A = vector.broadcast %jit3A : f32 to vector<2048x512xf32>
    %select_n3A = arith.select %eq3A, %broadcast_in_dim3A, %exp3A : vector<2048x512xi1>, vector<2048x512xf32>
    %swap3A = arith.constant 0 : index
    %swap3A_39 = arith.constant 0 : index
    %swap3A_40 = arith.constant 0 : index
    %swap3A_41 = vector.load %arg9[%swap3A, %swap3A_39, %swap3A_40] : memref<1x2048x512xf32, #tpu.memory_space<vmem>>, vector<1x2048x512xf32>
    %swap3A_42 = vector.shape_cast %swap3A_41 : vector<1x2048x512xf32> to vector<2048x512xf32>
    %swap3A_43 = vector.shape_cast %select_n3A : vector<2048x512xf32> to vector<1x2048x512xf32>
    tpu.vector_store %arg9[%swap3A, %swap3A_39, %swap3A_40], %swap3A_43 {strides = array<i32>} : memref<1x2048x512xf32, #tpu.memory_space<vmem>>, vector<1x2048x512xf32>,
    %reduce_max3A = arith.constant dense<0xFF800000> : vector<512xf32>
    %reduce_max3A_44 = vector.multi_reduction <maximumf>, %select_n3A, %reduce_max3A [0] : vector<2048x512xf32> to vector<512xf32>
    %broadcast_in_dim3A_45 = vector.shape_cast %reduce_max3A_44 : vector<512xf32> to vector<1x1x512xf32>
    %reshape3A = vector.shape_cast %select_n3A : vector<2048x512xf32> to vector<16x128x512xf32>
    %sub3A_46 = vector.broadcast %broadcast_in_dim3A_45 : vector<1x1x512xf32> to vector<16x128x512xf32>
    %sub3A_47 = arith.subf %reshape3A, %sub3A_46 : vector<16x128x512xf32>
    %exp3A_48 = math.exp %sub3A_47 : vector<16x128x512xf32>
    %swap3A_49 = arith.constant 0 : index
    %swap3A_50 = arith.constant 0 : index
    %swap3A_51 = arith.constant 0 : index
    %swap3A_52 = vector.load %arg10[%swap3A_49, %swap3A_50, %swap3A_51] : memref<16x128x512xf32, #tpu.memory_space<vmem>>, vector<16x128x512xf32>
    tpu.vector_store %arg10[%swap3A_49, %swap3A_50, %swap3A_51], %exp3A_48 {strides = array<i32>} : memref<16x128x512xf32, #tpu.memory_space<vmem>>, vector<16x128x512xf32>,
    %get3A_53 = arith.constant 0 : index
    %get3A_54 = arith.constant 0 : index
    %get3A_55 = arith.constant 0 : index
    %get3A_56 = vector.load %arg10[%get3A_53, %get3A_54, %get3A_55] : memref<16x128x512xf32, #tpu.memory_space<vmem>>, vector<1x8x512xf32>
    %get3A_57 = vector.shape_cast %get3A_56 : vector<1x8x512xf32> to vector<8x512xf32>
    %scan3A = arith.constant 1 : i32
    %scan3A_58 = arith.constant 255 : i32
    %scan3A_59 = arith.addi %scan3A, %scan3A_58 : i32
    %scan3A_60 = arith.constant 1 : i32
    %scan3A_61 = scf.for %scan3A_421 = %scan3A to %scan3A_59 step %scan3A_60 iter_args(%scan3A_422 = %get3A_57) -> (vector<8x512xf32>)  : i32 {
      %jit3A_423 = arith.constant 16 : i32
      %div3A_424 = arith.divsi %scan3A_421, %jit3A_423 : i32
      %sign3A = arith.constant 0 : i32
      %sign3A_425 = arith.cmpi sgt, %scan3A_421, %sign3A : i32
      %sign3A_426 = arith.extui %sign3A_425 : i1 to i32
      %sign3A_427 = arith.constant 0 : i32
      %sign3A_428 = arith.cmpi slt, %scan3A_421, %sign3A_427 : i32
      %sign3A_429 = arith.extui %sign3A_428 : i1 to i32
      %sign3A_430 = arith.subi %sign3A_426, %sign3A_429 : i32
      %sign3A_431 = arith.constant 0 : i32
      %sign3A_432 = arith.cmpi sgt, %jit3A_423, %sign3A_431 : i32
      %sign3A_433 = arith.extui %sign3A_432 : i1 to i32
      %sign3A_434 = arith.constant 0 : i32
      %sign3A_435 = arith.cmpi slt, %jit3A_423, %sign3A_434 : i32
      %sign3A_436 = arith.extui %sign3A_435 : i1 to i32
      %sign3A_437 = arith.subi %sign3A_433, %sign3A_436 : i32
      %ne3A = arith.cmpi ne, %sign3A_430, %sign3A_437 : i32
      %rem3A = arith.remsi %scan3A_421, %jit3A_423 : i32
      %ne3A_438 = arith.constant 0 : i32
      %ne3A_439 = arith.cmpi ne, %rem3A, %ne3A_438 : i32
      %and3A = arith.andi %ne3A, %ne3A_439 : i1
      %sub3A_440 = arith.constant 1 : i32
      %sub3A_441 = arith.subi %div3A_424, %sub3A_440 : i32
      %select_n3A_442 = arith.select %and3A, %sub3A_441, %div3A_424 : i32
      %jit3A_443 = arith.constant 16 : i32
      %eq3A_444 = arith.constant 0 : i32
      %eq3A_445 = arith.cmpi eq, %jit3A_443, %eq3A_444 : i32
      %jit3A_446 = arith.constant 1 : i32
      %select_n3A_447 = arith.select %eq3A_445, %jit3A_446, %jit3A_443 : i32
      %rem3A_448 = arith.remsi %scan3A_421, %select_n3A_447 : i32
      %ne3A_449 = arith.constant 0 : i32
      %ne3A_450 = arith.cmpi ne, %rem3A_448, %ne3A_449 : i32
      %lt3A_451 = arith.constant 0 : i32
      %lt3A_452 = arith.cmpi slt, %rem3A_448, %lt3A_451 : i32
      %lt3A_453 = arith.constant 0 : i32
      %lt3A_454 = arith.cmpi slt, %select_n3A_447, %lt3A_453 : i32
      %ne3A_455 = arith.xori %lt3A_452, %lt3A_454 : i1
      %and3A_456 = arith.andi %ne3A_455, %ne3A_450 : i1
      %add3A_457 = arith.addi %rem3A_448, %select_n3A_447 : i32
      %select_n3A_458 = arith.select %and3A_456, %add3A_457, %rem3A_448 : i32
      %mul3A_459 = arith.constant 8 : i32
      %mul3A_460 = arith.muli %mul3A_459, %select_n3A_458 : i32
      %get3A_461 = arith.index_cast %select_n3A_442 : i32 to index
      %get3A_462 = arith.index_cast %mul3A_460 : i32 to index
      %get3A_463 = arith.constant 0 : index
      %get3A_464 = vector.load %arg10[%get3A_461, %get3A_462, %get3A_463] : memref<16x128x512xf32, #tpu.memory_space<vmem>>, vector<1x8x512xf32>
      %get3A_465 = vector.shape_cast %get3A_464 : vector<1x8x512xf32> to vector<8x512xf32>
      %add3A_466 = arith.addf %scan3A_422, %get3A_465 : vector<8x512xf32>
      scf.yield %add3A_466 : vector<8x512xf32>
    }
    %scan3A_62 = arith.constant 255 : i32
    %slice3A = vector.extract_strided_slice %scan3A_61 {offsets = [0, 0], sizes = [4, 512], strides = [1, 1]} : vector<8x512xf32> to vector<4x512xf32>
    %slice3A_63 = vector.extract_strided_slice %scan3A_61 {offsets = [4, 0], sizes = [4, 512], strides = [1, 1]} : vector<8x512xf32> to vector<4x512xf32>
    %add3A_64 = arith.addf %slice3A, %slice3A_63 : vector<4x512xf32>
    %slice3A_65 = vector.extract_strided_slice %add3A_64 {offsets = [0, 0], sizes = [2, 512], strides = [1, 1]} : vector<4x512xf32> to vector<2x512xf32>
    %slice3A_66 = vector.extract_strided_slice %add3A_64 {offsets = [2, 0], sizes = [2, 512], strides = [1, 1]} : vector<4x512xf32> to vector<2x512xf32>
    %add3A_67 = arith.addf %slice3A_65, %slice3A_66 : vector<2x512xf32>
    %slice3A_68 = vector.extract_strided_slice %add3A_67 {offsets = [0, 0], sizes = [1, 512], strides = [1, 1]} : vector<2x512xf32> to vector<1x512xf32>
    %slice3A_69 = vector.extract_strided_slice %add3A_67 {offsets = [1, 0], sizes = [1, 512], strides = [1, 1]} : vector<2x512xf32> to vector<1x512xf32>
    %add3A_70 = arith.addf %slice3A_68, %slice3A_69 : vector<1x512xf32>
    %broadcast_in_dim3A_71 = vector.shape_cast %add3A_70 : vector<1x512xf32> to vector<1x1x512xf32>
    %get3A_72 = arith.constant 0 : index
    %get3A_73 = arith.constant 0 : index
    %get3A_74 = arith.constant 0 : index
    %get3A_75 = vector.load %arg10[%get3A_72, %get3A_73, %get3A_74] : memref<16x128x512xf32, #tpu.memory_space<vmem>>, vector<16x128x512xf32>
    %div3A = vector.broadcast %broadcast_in_dim3A_71 : vector<1x1x512xf32> to vector<16x128x512xf32>
    %div3A_76 = arith.divf %get3A_75, %div3A : vector<16x128x512xf32>
    %swap3A_77 = arith.constant 0 : index
    %swap3A_78 = arith.constant 0 : index
    %swap3A_79 = arith.constant 0 : index
    %swap3A_80 = vector.load %arg10[%swap3A_77, %swap3A_78, %swap3A_79] : memref<16x128x512xf32, #tpu.memory_space<vmem>>, vector<16x128x512xf32>
    tpu.vector_store %arg10[%swap3A_77, %swap3A_78, %swap3A_79], %div3A_76 {strides = array<i32>} : memref<16x128x512xf32, #tpu.memory_space<vmem>>, vector<16x128x512xf32>,
    %scan3A_81 = arith.constant 1 : i32
    %scan3A_82 = arith.constant 127 : i32
    %scan3A_83 = arith.addi %scan3A_81, %scan3A_82 : i32
    %scan3A_84 = arith.constant 1 : i32
    scf.for %scan3A_421 = %scan3A_81 to %scan3A_83 step %scan3A_84  : i32 {
      %sub3A_422 = arith.constant 1 : i32
      %sub3A_423 = arith.subi %scan3A_421, %sub3A_422 : i32
      %get3A_424 = arith.constant 0 : index
      %get3A_425 = arith.index_cast %sub3A_423 : i32 to index
      %get3A_426 = arith.constant 0 : index
      %get3A_427 = vector.load %arg10[%get3A_424, %get3A_425, %get3A_426] : memref<16x128x512xf32, #tpu.memory_space<vmem>>, vector<16x1x512xf32>
      %get3A_428 = arith.constant 0 : index
      %get3A_429 = arith.index_cast %scan3A_421 : i32 to index
      %get3A_430 = arith.constant 0 : index
      %get3A_431 = vector.load %arg10[%get3A_428, %get3A_429, %get3A_430] : memref<16x128x512xf32, #tpu.memory_space<vmem>>, vector<16x1x512xf32>
      %add3A_432 = arith.addf %get3A_427, %get3A_431 : vector<16x1x512xf32>
      %swap3A_433 = arith.constant 0 : index
      %swap3A_434 = arith.index_cast %scan3A_421 : i32 to index
      %swap3A_435 = arith.constant 0 : index
      %swap3A_436 = vector.load %arg10[%swap3A_433, %swap3A_434, %swap3A_435] : memref<16x128x512xf32, #tpu.memory_space<vmem>>, vector<16x1x512xf32>
      tpu.vector_store %arg10[%swap3A_433, %swap3A_434, %swap3A_435], %add3A_432 {strides = array<i32>} : memref<16x128x512xf32, #tpu.memory_space<vmem>>, vector<16x1x512xf32>,
    }
    %scan3A_85 = arith.constant 127 : i32
    %get3A_86 = arith.constant 0 : index
    %get3A_87 = arith.constant 127 : index
    %get3A_88 = arith.constant 0 : index
    %get3A_89 = vector.load %arg10[%get3A_86, %get3A_87, %get3A_88] : memref<16x128x512xf32, #tpu.memory_space<vmem>>, vector<16x1x512xf32>
    %broadcast_in_dim3A_90 = arith.constant 0.000000e+00 : f32
    %broadcast_in_dim3A_91 = vector.broadcast %broadcast_in_dim3A_90 : f32 to vector<1x1x512xf32>
    %slice3A_92 = vector.extract_strided_slice %get3A_89 {offsets = [0, 0, 0], sizes = [1, 1, 512], strides = [1, 1, 1]} : vector<16x1x512xf32> to vector<1x1x512xf32>
    %slice3A_93 = vector.extract_strided_slice %get3A_89 {offsets = [1, 0, 0], sizes = [1, 1, 512], strides = [1, 1, 1]} : vector<16x1x512xf32> to vector<1x1x512xf32>
    %add3A_94 = arith.addf %slice3A_92, %slice3A_93 : vector<1x1x512xf32>
    %slice3A_95 = vector.extract_strided_slice %get3A_89 {offsets = [2, 0, 0], sizes = [1, 1, 512], strides = [1, 1, 1]} : vector<16x1x512xf32> to vector<1x1x512xf32>
    %add3A_96 = arith.addf %add3A_94, %slice3A_95 : vector<1x1x512xf32>
    %slice3A_97 = vector.extract_strided_slice %get3A_89 {offsets = [3, 0, 0], sizes = [1, 1, 512], strides = [1, 1, 1]} : vector<16x1x512xf32> to vector<1x1x512xf32>
    %add3A_98 = arith.addf %add3A_96, %slice3A_97 : vector<1x1x512xf32>
    %slice3A_99 = vector.extract_strided_slice %get3A_89 {offsets = [4, 0, 0], sizes = [1, 1, 512], strides = [1, 1, 1]} : vector<16x1x512xf32> to vector<1x1x512xf32>
    %add3A_100 = arith.addf %add3A_98, %slice3A_99 : vector<1x1x512xf32>
    %slice3A_101 = vector.extract_strided_slice %get3A_89 {offsets = [5, 0, 0], sizes = [1, 1, 512], strides = [1, 1, 1]} : vector<16x1x512xf32> to vector<1x1x512xf32>
    %add3A_102 = arith.addf %add3A_100, %slice3A_101 : vector<1x1x512xf32>
    %slice3A_103 = vector.extract_strided_slice %get3A_89 {offsets = [6, 0, 0], sizes = [1, 1, 512], strides = [1, 1, 1]} : vector<16x1x512xf32> to vector<1x1x512xf32>
    %add3A_104 = arith.addf %add3A_102, %slice3A_103 : vector<1x1x512xf32>
    %slice3A_105 = vector.extract_strided_slice %get3A_89 {offsets = [7, 0, 0], sizes = [1, 1, 512], strides = [1, 1, 1]} : vector<16x1x512xf32> to vector<1x1x512xf32>
    %add3A_106 = arith.addf %add3A_104, %slice3A_105 : vector<1x1x512xf32>
    %slice3A_107 = vector.extract_strided_slice %get3A_89 {offsets = [8, 0, 0], sizes = [1, 1, 512], strides = [1, 1, 1]} : vector<16x1x512xf32> to vector<1x1x512xf32>
    %add3A_108 = arith.addf %add3A_106, %slice3A_107 : vector<1x1x512xf32>
    %slice3A_109 = vector.extract_strided_slice %get3A_89 {offsets = [9, 0, 0], sizes = [1, 1, 512], strides = [1, 1, 1]} : vector<16x1x512xf32> to vector<1x1x512xf32>
    %add3A_110 = arith.addf %add3A_108, %slice3A_109 : vector<1x1x512xf32>
    %slice3A_111 = vector.extract_strided_slice %get3A_89 {offsets = [10, 0, 0], sizes = [1, 1, 512], strides = [1, 1, 1]} : vector<16x1x512xf32> to vector<1x1x512xf32>
    %add3A_112 = arith.addf %add3A_110, %slice3A_111 : vector<1x1x512xf32>
    %slice3A_113 = vector.extract_strided_slice %get3A_89 {offsets = [11, 0, 0], sizes = [1, 1, 512], strides = [1, 1, 1]} : vector<16x1x512xf32> to vector<1x1x512xf32>
    %add3A_114 = arith.addf %add3A_112, %slice3A_113 : vector<1x1x512xf32>
    %slice3A_115 = vector.extract_strided_slice %get3A_89 {offsets = [12, 0, 0], sizes = [1, 1, 512], strides = [1, 1, 1]} : vector<16x1x512xf32> to vector<1x1x512xf32>
    %add3A_116 = arith.addf %add3A_114, %slice3A_115 : vector<1x1x512xf32>
    %slice3A_117 = vector.extract_strided_slice %get3A_89 {offsets = [13, 0, 0], sizes = [1, 1, 512], strides = [1, 1, 1]} : vector<16x1x512xf32> to vector<1x1x512xf32>
    %add3A_118 = arith.addf %add3A_116, %slice3A_117 : vector<1x1x512xf32>
    %slice3A_119 = vector.extract_strided_slice %get3A_89 {offsets = [14, 0, 0], sizes = [1, 1, 512], strides = [1, 1, 1]} : vector<16x1x512xf32> to vector<1x1x512xf32>
    %add3A_120 = arith.addf %add3A_118, %slice3A_119 : vector<1x1x512xf32>
    %get3A_121 = arith.constant 0 : index
    %get3A_122 = arith.constant 0 : index
    %get3A_123 = arith.constant 0 : index
    %get3A_124 = vector.load %arg10[%get3A_121, %get3A_122, %get3A_123] : memref<16x128x512xf32, #tpu.memory_space<vmem>>, vector<16x128x512xf32>
    %concatenate3A = tpu.concatenate %broadcast_in_dim3A_91, %slice3A_92, %add3A_94, %add3A_96, %add3A_98, %add3A_100, %add3A_102, %add3A_104, %add3A_106, %add3A_108, %add3A_110, %add3A_112, %add3A_114, %add3A_116, %add3A_118, %add3A_120 in 0 : vector<1x1x512xf32>, vector<1x1x512xf32>, vector<1x1x512xf32>, vector<1x1x512xf32>, vector<1x1x512xf32>, vector<1x1x512xf32>, vector<1x1x512xf32>, vector<1x1x512xf32>, vector<1x1x512xf32>, vector<1x1x512xf32>, vector<1x1x512xf32>, vector<1x1x512xf32>, vector<1x1x512xf32>, vector<1x1x512xf32>, vector<1x1x512xf32>, vector<1x1x512xf32> -> vector<16x1x512xf32>
    %add3A_125 = vector.broadcast %concatenate3A : vector<16x1x512xf32> to vector<16x128x512xf32>
    %add3A_126 = arith.addf %get3A_124, %add3A_125 : vector<16x128x512xf32>
    %swap3A_127 = arith.constant 0 : index
    %swap3A_128 = arith.constant 0 : index
    %swap3A_129 = arith.constant 0 : index
    %swap3A_130 = vector.load %arg10[%swap3A_127, %swap3A_128, %swap3A_129] : memref<16x128x512xf32, #tpu.memory_space<vmem>>, vector<16x128x512xf32>
    tpu.vector_store %arg10[%swap3A_127, %swap3A_128, %swap3A_129], %add3A_126 {strides = array<i32>} : memref<16x128x512xf32, #tpu.memory_space<vmem>>, vector<16x128x512xf32>,
    %get3A_131 = arith.constant 0 : index
    %get3A_132 = arith.constant 0 : index
    %get3A_133 = arith.constant 0 : index
    %get3A_134 = vector.load %arg10[%get3A_131, %get3A_132, %get3A_133] : memref<16x128x512xf32, #tpu.memory_space<vmem>>, vector<16x128x512xf32>
    %get3A_135 = arith.constant 0 : index
    %get3A_136 = arith.constant 0 : index
    %get3A_137 = arith.constant 0 : index
    %get3A_138 = vector.load %arg6[%get3A_135, %get3A_136, %get3A_137] : memref<1x10x512xf32, #tpu.memory_space<vmem>>, vector<1x1x512xf32>
    %get3A_139 = vector.shape_cast %get3A_138 : vector<1x1x512xf32> to vector<1x512xf32>
    %broadcast_in_dim3A_140 = vector.shape_cast %get3A_139 : vector<1x512xf32> to vector<1x1x512xf32>
    %lt3A = vector.broadcast %broadcast_in_dim3A_140 : vector<1x1x512xf32> to vector<16x128x512xf32>
    %lt3A_141 = arith.cmpf olt, %get3A_134, %lt3A : vector<16x128x512xf32>
    %jit3A_142 = arith.constant 1.000000e+00 : f32
    %jit3A_143 = arith.constant 0.000000e+00 : f32
    %broadcast_in_dim3A_144 = vector.broadcast %jit3A_142 : f32 to vector<16x128x512xf32>
    %broadcast_in_dim3A_145 = vector.broadcast %jit3A_143 : f32 to vector<16x128x512xf32>
    %select_n3A_146 = arith.select %lt3A_141, %broadcast_in_dim3A_144, %broadcast_in_dim3A_145 : vector<16x128x512xi1>, vector<16x128x512xf32>
    %reduce_sum3A = arith.constant dense<0.000000e+00> : vector<512xf32>
    %reduce_sum3A_147 = vector.multi_reduction <add>, %select_n3A_146, %reduce_sum3A [0, 1] : vector<16x128x512xf32> to vector<512xf32>
    %convert_element_type3A = arith.fptosi %reduce_sum3A_147 : vector<512xf32> to vector<512xi32>
    %jit3A_148 = arith.constant 0 : i32
    %jit3A_149 = arith.constant 2047 : i32
    %max3A_150 = vector.broadcast %jit3A_148 : i32 to vector<512xi32>
    %max3A_151 = arith.maxsi %max3A_150, %convert_element_type3A : vector<512xi32>
    %min3A = vector.broadcast %jit3A_149 : i32 to vector<512xi32>
    %min3A_152 = arith.minsi %min3A, %max3A_151 : vector<512xi32>
    %broadcast_in_dim3A_153 = vector.shape_cast %min3A_152 : vector<512xi32> to vector<1x512xi32>
    %swap3A_154 = arith.constant 0 : index
    %swap3A_155 = arith.constant 0 : index
    %swap3A_156 = arith.constant 0 : index
    %swap3A_157 = vector.load %arg8[%swap3A_154, %swap3A_155, %swap3A_156] : memref<1x10x512xi32, #tpu.memory_space<vmem>>, vector<1x1x512xi32>
    %swap3A_158 = vector.shape_cast %swap3A_157 : vector<1x1x512xi32> to vector<1x512xi32>
    %swap3A_159 = vector.shape_cast %broadcast_in_dim3A_153 : vector<1x512xi32> to vector<1x1x512xi32>
    tpu.vector_store %arg8[%swap3A_154, %swap3A_155, %swap3A_156], %swap3A_159 {strides = array<i32>} : memref<1x10x512xi32, #tpu.memory_space<vmem>>, vector<1x1x512xi32>,
    %get3A_160 = arith.constant 0 : index
    %get3A_161 = arith.constant 1 : index
    %get3A_162 = arith.constant 0 : index
    %get3A_163 = vector.load %arg6[%get3A_160, %get3A_161, %get3A_162] : memref<1x10x512xf32, #tpu.memory_space<vmem>>, vector<1x1x512xf32>
    %get3A_164 = vector.shape_cast %get3A_163 : vector<1x1x512xf32> to vector<1x512xf32>
    %broadcast_in_dim3A_165 = vector.shape_cast %get3A_164 : vector<1x512xf32> to vector<1x1x512xf32>
    %lt3A_166 = vector.broadcast %broadcast_in_dim3A_165 : vector<1x1x512xf32> to vector<16x128x512xf32>
    %lt3A_167 = arith.cmpf olt, %get3A_134, %lt3A_166 : vector<16x128x512xf32>
    %jit3A_168 = arith.constant 1.000000e+00 : f32
    %jit3A_169 = arith.constant 0.000000e+00 : f32
    %broadcast_in_dim3A_170 = vector.broadcast %jit3A_168 : f32 to vector<16x128x512xf32>
    %broadcast_in_dim3A_171 = vector.broadcast %jit3A_169 : f32 to vector<16x128x512xf32>
    %select_n3A_172 = arith.select %lt3A_167, %broadcast_in_dim3A_170, %broadcast_in_dim3A_171 : vector<16x128x512xi1>, vector<16x128x512xf32>
    %reduce_sum3A_173 = arith.constant dense<0.000000e+00> : vector<512xf32>
    %reduce_sum3A_174 = vector.multi_reduction <add>, %select_n3A_172, %reduce_sum3A_173 [0, 1] : vector<16x128x512xf32> to vector<512xf32>
    %convert_element_type3A_175 = arith.fptosi %reduce_sum3A_174 : vector<512xf32> to vector<512xi32>
    %jit3A_176 = arith.constant 0 : i32
    %jit3A_177 = arith.constant 2047 : i32
    %max3A_178 = vector.broadcast %jit3A_176 : i32 to vector<512xi32>
    %max3A_179 = arith.maxsi %max3A_178, %convert_element_type3A_175 : vector<512xi32>
    %min3A_180 = vector.broadcast %jit3A_177 : i32 to vector<512xi32>
    %min3A_181 = arith.minsi %min3A_180, %max3A_179 : vector<512xi32>
    %broadcast_in_dim3A_182 = vector.shape_cast %min3A_181 : vector<512xi32> to vector<1x512xi32>
    %swap3A_183 = arith.constant 0 : index
    %swap3A_184 = arith.constant 1 : index
    %swap3A_185 = arith.constant 0 : index
    %swap3A_186 = vector.load %arg8[%swap3A_183, %swap3A_184, %swap3A_185] : memref<1x10x512xi32, #tpu.memory_space<vmem>>, vector<1x1x512xi32>
    %swap3A_187 = vector.shape_cast %swap3A_186 : vector<1x1x512xi32> to vector<1x512xi32>
    %swap3A_188 = vector.shape_cast %broadcast_in_dim3A_182 : vector<1x512xi32> to vector<1x1x512xi32>
    tpu.vector_store %arg8[%swap3A_183, %swap3A_184, %swap3A_185], %swap3A_188 {strides = array<i32>} : memref<1x10x512xi32, #tpu.memory_space<vmem>>, vector<1x1x512xi32>,
    %get3A_189 = arith.constant 0 : index
    %get3A_190 = arith.constant 2 : index
    %get3A_191 = arith.constant 0 : index
    %get3A_192 = vector.load %arg6[%get3A_189, %get3A_190, %get3A_191] : memref<1x10x512xf32, #tpu.memory_space<vmem>>, vector<1x1x512xf32>
    %get3A_193 = vector.shape_cast %get3A_192 : vector<1x1x512xf32> to vector<1x512xf32>
    %broadcast_in_dim3A_194 = vector.shape_cast %get3A_193 : vector<1x512xf32> to vector<1x1x512xf32>
    %lt3A_195 = vector.broadcast %broadcast_in_dim3A_194 : vector<1x1x512xf32> to vector<16x128x512xf32>
    %lt3A_196 = arith.cmpf olt, %get3A_134, %lt3A_195 : vector<16x128x512xf32>
    %jit3A_197 = arith.constant 1.000000e+00 : f32
    %jit3A_198 = arith.constant 0.000000e+00 : f32
    %broadcast_in_dim3A_199 = vector.broadcast %jit3A_197 : f32 to vector<16x128x512xf32>
    %broadcast_in_dim3A_200 = vector.broadcast %jit3A_198 : f32 to vector<16x128x512xf32>
    %select_n3A_201 = arith.select %lt3A_196, %broadcast_in_dim3A_199, %broadcast_in_dim3A_200 : vector<16x128x512xi1>, vector<16x128x512xf32>
    %reduce_sum3A_202 = arith.constant dense<0.000000e+00> : vector<512xf32>
    %reduce_sum3A_203 = vector.multi_reduction <add>, %select_n3A_201, %reduce_sum3A_202 [0, 1] : vector<16x128x512xf32> to vector<512xf32>
    %convert_element_type3A_204 = arith.fptosi %reduce_sum3A_203 : vector<512xf32> to vector<512xi32>
    %jit3A_205 = arith.constant 0 : i32
    %jit3A_206 = arith.constant 2047 : i32
    %max3A_207 = vector.broadcast %jit3A_205 : i32 to vector<512xi32>
    %max3A_208 = arith.maxsi %max3A_207, %convert_element_type3A_204 : vector<512xi32>
    %min3A_209 = vector.broadcast %jit3A_206 : i32 to vector<512xi32>
    %min3A_210 = arith.minsi %min3A_209, %max3A_208 : vector<512xi32>
    %broadcast_in_dim3A_211 = vector.shape_cast %min3A_210 : vector<512xi32> to vector<1x512xi32>
    %swap3A_212 = arith.constant 0 : index
    %swap3A_213 = arith.constant 2 : index
    %swap3A_214 = arith.constant 0 : index
    %swap3A_215 = vector.load %arg8[%swap3A_212, %swap3A_213, %swap3A_214] : memref<1x10x512xi32, #tpu.memory_space<vmem>>, vector<1x1x512xi32>
    %swap3A_216 = vector.shape_cast %swap3A_215 : vector<1x1x512xi32> to vector<1x512xi32>
    %swap3A_217 = vector.shape_cast %broadcast_in_dim3A_211 : vector<1x512xi32> to vector<1x1x512xi32>
    tpu.vector_store %arg8[%swap3A_212, %swap3A_213, %swap3A_214], %swap3A_217 {strides = array<i32>} : memref<1x10x512xi32, #tpu.memory_space<vmem>>, vector<1x1x512xi32>,
    %get3A_218 = arith.constant 0 : index
    %get3A_219 = arith.constant 3 : index
    %get3A_220 = arith.constant 0 : index
    %get3A_221 = vector.load %arg6[%get3A_218, %get3A_219, %get3A_220] : memref<1x10x512xf32, #tpu.memory_space<vmem>>, vector<1x1x512xf32>
    %get3A_222 = vector.shape_cast %get3A_221 : vector<1x1x512xf32> to vector<1x512xf32>
    %broadcast_in_dim3A_223 = vector.shape_cast %get3A_222 : vector<1x512xf32> to vector<1x1x512xf32>
    %lt3A_224 = vector.broadcast %broadcast_in_dim3A_223 : vector<1x1x512xf32> to vector<16x128x512xf32>
    %lt3A_225 = arith.cmpf olt, %get3A_134, %lt3A_224 : vector<16x128x512xf32>
    %jit3A_226 = arith.constant 1.000000e+00 : f32
    %jit3A_227 = arith.constant 0.000000e+00 : f32
    %broadcast_in_dim3A_228 = vector.broadcast %jit3A_226 : f32 to vector<16x128x512xf32>
    %broadcast_in_dim3A_229 = vector.broadcast %jit3A_227 : f32 to vector<16x128x512xf32>
    %select_n3A_230 = arith.select %lt3A_225, %broadcast_in_dim3A_228, %broadcast_in_dim3A_229 : vector<16x128x512xi1>, vector<16x128x512xf32>
    %reduce_sum3A_231 = arith.constant dense<0.000000e+00> : vector<512xf32>
    %reduce_sum3A_232 = vector.multi_reduction <add>, %select_n3A_230, %reduce_sum3A_231 [0, 1] : vector<16x128x512xf32> to vector<512xf32>
    %convert_element_type3A_233 = arith.fptosi %reduce_sum3A_232 : vector<512xf32> to vector<512xi32>
    %jit3A_234 = arith.constant 0 : i32
    %jit3A_235 = arith.constant 2047 : i32
    %max3A_236 = vector.broadcast %jit3A_234 : i32 to vector<512xi32>
    %max3A_237 = arith.maxsi %max3A_236, %convert_element_type3A_233 : vector<512xi32>
    %min3A_238 = vector.broadcast %jit3A_235 : i32 to vector<512xi32>
    %min3A_239 = arith.minsi %min3A_238, %max3A_237 : vector<512xi32>
    %broadcast_in_dim3A_240 = vector.shape_cast %min3A_239 : vector<512xi32> to vector<1x512xi32>
    %swap3A_241 = arith.constant 0 : index
    %swap3A_242 = arith.constant 3 : index
    %swap3A_243 = arith.constant 0 : index
    %swap3A_244 = vector.load %arg8[%swap3A_241, %swap3A_242, %swap3A_243] : memref<1x10x512xi32, #tpu.memory_space<vmem>>, vector<1x1x512xi32>
    %swap3A_245 = vector.shape_cast %swap3A_244 : vector<1x1x512xi32> to vector<1x512xi32>
    %swap3A_246 = vector.shape_cast %broadcast_in_dim3A_240 : vector<1x512xi32> to vector<1x1x512xi32>
    tpu.vector_store %arg8[%swap3A_241, %swap3A_242, %swap3A_243], %swap3A_246 {strides = array<i32>} : memref<1x10x512xi32, #tpu.memory_space<vmem>>, vector<1x1x512xi32>,
    %get3A_247 = arith.constant 0 : index
    %get3A_248 = arith.constant 4 : index
    %get3A_249 = arith.constant 0 : index
    %get3A_250 = vector.load %arg6[%get3A_247, %get3A_248, %get3A_249] : memref<1x10x512xf32, #tpu.memory_space<vmem>>, vector<1x1x512xf32>
    %get3A_251 = vector.shape_cast %get3A_250 : vector<1x1x512xf32> to vector<1x512xf32>
    %broadcast_in_dim3A_252 = vector.shape_cast %get3A_251 : vector<1x512xf32> to vector<1x1x512xf32>
    %lt3A_253 = vector.broadcast %broadcast_in_dim3A_252 : vector<1x1x512xf32> to vector<16x128x512xf32>
    %lt3A_254 = arith.cmpf olt, %get3A_134, %lt3A_253 : vector<16x128x512xf32>
    %jit3A_255 = arith.constant 1.000000e+00 : f32
    %jit3A_256 = arith.constant 0.000000e+00 : f32
    %broadcast_in_dim3A_257 = vector.broadcast %jit3A_255 : f32 to vector<16x128x512xf32>
    %broadcast_in_dim3A_258 = vector.broadcast %jit3A_256 : f32 to vector<16x128x512xf32>
    %select_n3A_259 = arith.select %lt3A_254, %broadcast_in_dim3A_257, %broadcast_in_dim3A_258 : vector<16x128x512xi1>, vector<16x128x512xf32>
    %reduce_sum3A_260 = arith.constant dense<0.000000e+00> : vector<512xf32>
    %reduce_sum3A_261 = vector.multi_reduction <add>, %select_n3A_259, %reduce_sum3A_260 [0, 1] : vector<16x128x512xf32> to vector<512xf32>
    %convert_element_type3A_262 = arith.fptosi %reduce_sum3A_261 : vector<512xf32> to vector<512xi32>
    %jit3A_263 = arith.constant 0 : i32
    %jit3A_264 = arith.constant 2047 : i32
    %max3A_265 = vector.broadcast %jit3A_263 : i32 to vector<512xi32>
    %max3A_266 = arith.maxsi %max3A_265, %convert_element_type3A_262 : vector<512xi32>
    %min3A_267 = vector.broadcast %jit3A_264 : i32 to vector<512xi32>
    %min3A_268 = arith.minsi %min3A_267, %max3A_266 : vector<512xi32>
    %broadcast_in_dim3A_269 = vector.shape_cast %min3A_268 : vector<512xi32> to vector<1x512xi32>
    %swap3A_270 = arith.constant 0 : index
    %swap3A_271 = arith.constant 4 : index
    %swap3A_272 = arith.constant 0 : index
    %swap3A_273 = vector.load %arg8[%swap3A_270, %swap3A_271, %swap3A_272] : memref<1x10x512xi32, #tpu.memory_space<vmem>>, vector<1x1x512xi32>
    %swap3A_274 = vector.shape_cast %swap3A_273 : vector<1x1x512xi32> to vector<1x512xi32>
    %swap3A_275 = vector.shape_cast %broadcast_in_dim3A_269 : vector<1x512xi32> to vector<1x1x512xi32>
    tpu.vector_store %arg8[%swap3A_270, %swap3A_271, %swap3A_272], %swap3A_275 {strides = array<i32>} : memref<1x10x512xi32, #tpu.memory_space<vmem>>, vector<1x1x512xi32>,
    %get3A_276 = arith.constant 0 : index
    %get3A_277 = arith.constant 5 : index
    %get3A_278 = arith.constant 0 : index
    %get3A_279 = vector.load %arg6[%get3A_276, %get3A_277, %get3A_278] : memref<1x10x512xf32, #tpu.memory_space<vmem>>, vector<1x1x512xf32>
    %get3A_280 = vector.shape_cast %get3A_279 : vector<1x1x512xf32> to vector<1x512xf32>
    %broadcast_in_dim3A_281 = vector.shape_cast %get3A_280 : vector<1x512xf32> to vector<1x1x512xf32>
    %lt3A_282 = vector.broadcast %broadcast_in_dim3A_281 : vector<1x1x512xf32> to vector<16x128x512xf32>
    %lt3A_283 = arith.cmpf olt, %get3A_134, %lt3A_282 : vector<16x128x512xf32>
    %jit3A_284 = arith.constant 1.000000e+00 : f32
    %jit3A_285 = arith.constant 0.000000e+00 : f32
    %broadcast_in_dim3A_286 = vector.broadcast %jit3A_284 : f32 to vector<16x128x512xf32>
    %broadcast_in_dim3A_287 = vector.broadcast %jit3A_285 : f32 to vector<16x128x512xf32>
    %select_n3A_288 = arith.select %lt3A_283, %broadcast_in_dim3A_286, %broadcast_in_dim3A_287 : vector<16x128x512xi1>, vector<16x128x512xf32>
    %reduce_sum3A_289 = arith.constant dense<0.000000e+00> : vector<512xf32>
    %reduce_sum3A_290 = vector.multi_reduction <add>, %select_n3A_288, %reduce_sum3A_289 [0, 1] : vector<16x128x512xf32> to vector<512xf32>
    %convert_element_type3A_291 = arith.fptosi %reduce_sum3A_290 : vector<512xf32> to vector<512xi32>
    %jit3A_292 = arith.constant 0 : i32
    %jit3A_293 = arith.constant 2047 : i32
    %max3A_294 = vector.broadcast %jit3A_292 : i32 to vector<512xi32>
    %max3A_295 = arith.maxsi %max3A_294, %convert_element_type3A_291 : vector<512xi32>
    %min3A_296 = vector.broadcast %jit3A_293 : i32 to vector<512xi32>
    %min3A_297 = arith.minsi %min3A_296, %max3A_295 : vector<512xi32>
    %broadcast_in_dim3A_298 = vector.shape_cast %min3A_297 : vector<512xi32> to vector<1x512xi32>
    %swap3A_299 = arith.constant 0 : index
    %swap3A_300 = arith.constant 5 : index
    %swap3A_301 = arith.constant 0 : index
    %swap3A_302 = vector.load %arg8[%swap3A_299, %swap3A_300, %swap3A_301] : memref<1x10x512xi32, #tpu.memory_space<vmem>>, vector<1x1x512xi32>
    %swap3A_303 = vector.shape_cast %swap3A_302 : vector<1x1x512xi32> to vector<1x512xi32>
    %swap3A_304 = vector.shape_cast %broadcast_in_dim3A_298 : vector<1x512xi32> to vector<1x1x512xi32>
    tpu.vector_store %arg8[%swap3A_299, %swap3A_300, %swap3A_301], %swap3A_304 {strides = array<i32>} : memref<1x10x512xi32, #tpu.memory_space<vmem>>, vector<1x1x512xi32>,
    %get3A_305 = arith.constant 0 : index
    %get3A_306 = arith.constant 6 : index
    %get3A_307 = arith.constant 0 : index
    %get3A_308 = vector.load %arg6[%get3A_305, %get3A_306, %get3A_307] : memref<1x10x512xf32, #tpu.memory_space<vmem>>, vector<1x1x512xf32>
    %get3A_309 = vector.shape_cast %get3A_308 : vector<1x1x512xf32> to vector<1x512xf32>
    %broadcast_in_dim3A_310 = vector.shape_cast %get3A_309 : vector<1x512xf32> to vector<1x1x512xf32>
    %lt3A_311 = vector.broadcast %broadcast_in_dim3A_310 : vector<1x1x512xf32> to vector<16x128x512xf32>
    %lt3A_312 = arith.cmpf olt, %get3A_134, %lt3A_311 : vector<16x128x512xf32>
    %jit3A_313 = arith.constant 1.000000e+00 : f32
    %jit3A_314 = arith.constant 0.000000e+00 : f32
    %broadcast_in_dim3A_315 = vector.broadcast %jit3A_313 : f32 to vector<16x128x512xf32>
    %broadcast_in_dim3A_316 = vector.broadcast %jit3A_314 : f32 to vector<16x128x512xf32>
    %select_n3A_317 = arith.select %lt3A_312, %broadcast_in_dim3A_315, %broadcast_in_dim3A_316 : vector<16x128x512xi1>, vector<16x128x512xf32>
    %reduce_sum3A_318 = arith.constant dense<0.000000e+00> : vector<512xf32>
    %reduce_sum3A_319 = vector.multi_reduction <add>, %select_n3A_317, %reduce_sum3A_318 [0, 1] : vector<16x128x512xf32> to vector<512xf32>
    %convert_element_type3A_320 = arith.fptosi %reduce_sum3A_319 : vector<512xf32> to vector<512xi32>
    %jit3A_321 = arith.constant 0 : i32
    %jit3A_322 = arith.constant 2047 : i32
    %max3A_323 = vector.broadcast %jit3A_321 : i32 to vector<512xi32>
    %max3A_324 = arith.maxsi %max3A_323, %convert_element_type3A_320 : vector<512xi32>
    %min3A_325 = vector.broadcast %jit3A_322 : i32 to vector<512xi32>
    %min3A_326 = arith.minsi %min3A_325, %max3A_324 : vector<512xi32>
    %broadcast_in_dim3A_327 = vector.shape_cast %min3A_326 : vector<512xi32> to vector<1x512xi32>
    %swap3A_328 = arith.constant 0 : index
    %swap3A_329 = arith.constant 6 : index
    %swap3A_330 = arith.constant 0 : index
    %swap3A_331 = vector.load %arg8[%swap3A_328, %swap3A_329, %swap3A_330] : memref<1x10x512xi32, #tpu.memory_space<vmem>>, vector<1x1x512xi32>
    %swap3A_332 = vector.shape_cast %swap3A_331 : vector<1x1x512xi32> to vector<1x512xi32>
    %swap3A_333 = vector.shape_cast %broadcast_in_dim3A_327 : vector<1x512xi32> to vector<1x1x512xi32>
    tpu.vector_store %arg8[%swap3A_328, %swap3A_329, %swap3A_330], %swap3A_333 {strides = array<i32>} : memref<1x10x512xi32, #tpu.memory_space<vmem>>, vector<1x1x512xi32>,
    %get3A_334 = arith.constant 0 : index
    %get3A_335 = arith.constant 7 : index
    %get3A_336 = arith.constant 0 : index
    %get3A_337 = vector.load %arg6[%get3A_334, %get3A_335, %get3A_336] : memref<1x10x512xf32, #tpu.memory_space<vmem>>, vector<1x1x512xf32>
    %get3A_338 = vector.shape_cast %get3A_337 : vector<1x1x512xf32> to vector<1x512xf32>
    %broadcast_in_dim3A_339 = vector.shape_cast %get3A_338 : vector<1x512xf32> to vector<1x1x512xf32>
    %lt3A_340 = vector.broadcast %broadcast_in_dim3A_339 : vector<1x1x512xf32> to vector<16x128x512xf32>
    %lt3A_341 = arith.cmpf olt, %get3A_134, %lt3A_340 : vector<16x128x512xf32>
    %jit3A_342 = arith.constant 1.000000e+00 : f32
    %jit3A_343 = arith.constant 0.000000e+00 : f32
    %broadcast_in_dim3A_344 = vector.broadcast %jit3A_342 : f32 to vector<16x128x512xf32>
    %broadcast_in_dim3A_345 = vector.broadcast %jit3A_343 : f32 to vector<16x128x512xf32>
    %select_n3A_346 = arith.select %lt3A_341, %broadcast_in_dim3A_344, %broadcast_in_dim3A_345 : vector<16x128x512xi1>, vector<16x128x512xf32>
    %reduce_sum3A_347 = arith.constant dense<0.000000e+00> : vector<512xf32>
    %reduce_sum3A_348 = vector.multi_reduction <add>, %select_n3A_346, %reduce_sum3A_347 [0, 1] : vector<16x128x512xf32> to vector<512xf32>
    %convert_element_type3A_349 = arith.fptosi %reduce_sum3A_348 : vector<512xf32> to vector<512xi32>
    %jit3A_350 = arith.constant 0 : i32
    %jit3A_351 = arith.constant 2047 : i32
    %max3A_352 = vector.broadcast %jit3A_350 : i32 to vector<512xi32>
    %max3A_353 = arith.maxsi %max3A_352, %convert_element_type3A_349 : vector<512xi32>
    %min3A_354 = vector.broadcast %jit3A_351 : i32 to vector<512xi32>
    %min3A_355 = arith.minsi %min3A_354, %max3A_353 : vector<512xi32>
    %broadcast_in_dim3A_356 = vector.shape_cast %min3A_355 : vector<512xi32> to vector<1x512xi32>
    %swap3A_357 = arith.constant 0 : index
    %swap3A_358 = arith.constant 7 : index
    %swap3A_359 = arith.constant 0 : index
    %swap3A_360 = vector.load %arg8[%swap3A_357, %swap3A_358, %swap3A_359] : memref<1x10x512xi32, #tpu.memory_space<vmem>>, vector<1x1x512xi32>
    %swap3A_361 = vector.shape_cast %swap3A_360 : vector<1x1x512xi32> to vector<1x512xi32>
    %swap3A_362 = vector.shape_cast %broadcast_in_dim3A_356 : vector<1x512xi32> to vector<1x1x512xi32>
    tpu.vector_store %arg8[%swap3A_357, %swap3A_358, %swap3A_359], %swap3A_362 {strides = array<i32>} : memref<1x10x512xi32, #tpu.memory_space<vmem>>, vector<1x1x512xi32>,
    %get3A_363 = arith.constant 0 : index
    %get3A_364 = arith.constant 8 : index
    %get3A_365 = arith.constant 0 : index
    %get3A_366 = vector.load %arg6[%get3A_363, %get3A_364, %get3A_365] : memref<1x10x512xf32, #tpu.memory_space<vmem>>, vector<1x1x512xf32>
    %get3A_367 = vector.shape_cast %get3A_366 : vector<1x1x512xf32> to vector<1x512xf32>
    %broadcast_in_dim3A_368 = vector.shape_cast %get3A_367 : vector<1x512xf32> to vector<1x1x512xf32>
    %lt3A_369 = vector.broadcast %broadcast_in_dim3A_368 : vector<1x1x512xf32> to vector<16x128x512xf32>
    %lt3A_370 = arith.cmpf olt, %get3A_134, %lt3A_369 : vector<16x128x512xf32>
    %jit3A_371 = arith.constant 1.000000e+00 : f32
    %jit3A_372 = arith.constant 0.000000e+00 : f32
    %broadcast_in_dim3A_373 = vector.broadcast %jit3A_371 : f32 to vector<16x128x512xf32>
    %broadcast_in_dim3A_374 = vector.broadcast %jit3A_372 : f32 to vector<16x128x512xf32>
    %select_n3A_375 = arith.select %lt3A_370, %broadcast_in_dim3A_373, %broadcast_in_dim3A_374 : vector<16x128x512xi1>, vector<16x128x512xf32>
    %reduce_sum3A_376 = arith.constant dense<0.000000e+00> : vector<512xf32>
    %reduce_sum3A_377 = vector.multi_reduction <add>, %select_n3A_375, %reduce_sum3A_376 [0, 1] : vector<16x128x512xf32> to vector<512xf32>
    %convert_element_type3A_378 = arith.fptosi %reduce_sum3A_377 : vector<512xf32> to vector<512xi32>
    %jit3A_379 = arith.constant 0 : i32
    %jit3A_380 = arith.constant 2047 : i32
    %max3A_381 = vector.broadcast %jit3A_379 : i32 to vector<512xi32>
    %max3A_382 = arith.maxsi %max3A_381, %convert_element_type3A_378 : vector<512xi32>
    %min3A_383 = vector.broadcast %jit3A_380 : i32 to vector<512xi32>
    %min3A_384 = arith.minsi %min3A_383, %max3A_382 : vector<512xi32>
    %broadcast_in_dim3A_385 = vector.shape_cast %min3A_384 : vector<512xi32> to vector<1x512xi32>
    %swap3A_386 = arith.constant 0 : index
    %swap3A_387 = arith.constant 8 : index
    %swap3A_388 = arith.constant 0 : index
    %swap3A_389 = vector.load %arg8[%swap3A_386, %swap3A_387, %swap3A_388] : memref<1x10x512xi32, #tpu.memory_space<vmem>>, vector<1x1x512xi32>
    %swap3A_390 = vector.shape_cast %swap3A_389 : vector<1x1x512xi32> to vector<1x512xi32>
    %swap3A_391 = vector.shape_cast %broadcast_in_dim3A_385 : vector<1x512xi32> to vector<1x1x512xi32>
    tpu.vector_store %arg8[%swap3A_386, %swap3A_387, %swap3A_388], %swap3A_391 {strides = array<i32>} : memref<1x10x512xi32, #tpu.memory_space<vmem>>, vector<1x1x512xi32>,
    %get3A_392 = arith.constant 0 : index
    %get3A_393 = arith.constant 9 : index
    %get3A_394 = arith.constant 0 : index
    %get3A_395 = vector.load %arg6[%get3A_392, %get3A_393, %get3A_394] : memref<1x10x512xf32, #tpu.memory_space<vmem>>, vector<1x1x512xf32>
    %get3A_396 = vector.shape_cast %get3A_395 : vector<1x1x512xf32> to vector<1x512xf32>
    %broadcast_in_dim3A_397 = vector.shape_cast %get3A_396 : vector<1x512xf32> to vector<1x1x512xf32>
    %lt3A_398 = vector.broadcast %broadcast_in_dim3A_397 : vector<1x1x512xf32> to vector<16x128x512xf32>
    %lt3A_399 = arith.cmpf olt, %get3A_134, %lt3A_398 : vector<16x128x512xf32>
    %jit3A_400 = arith.constant 1.000000e+00 : f32
    %jit3A_401 = arith.constant 0.000000e+00 : f32
    %broadcast_in_dim3A_402 = vector.broadcast %jit3A_400 : f32 to vector<16x128x512xf32>
    %broadcast_in_dim3A_403 = vector.broadcast %jit3A_401 : f32 to vector<16x128x512xf32>
    %select_n3A_404 = arith.select %lt3A_399, %broadcast_in_dim3A_402, %broadcast_in_dim3A_403 : vector<16x128x512xi1>, vector<16x128x512xf32>
    %reduce_sum3A_405 = arith.constant dense<0.000000e+00> : vector<512xf32>
    %reduce_sum3A_406 = vector.multi_reduction <add>, %select_n3A_404, %reduce_sum3A_405 [0, 1] : vector<16x128x512xf32> to vector<512xf32>
    %convert_element_type3A_407 = arith.fptosi %reduce_sum3A_406 : vector<512xf32> to vector<512xi32>
    %jit3A_408 = arith.constant 0 : i32
    %jit3A_409 = arith.constant 2047 : i32
    %max3A_410 = vector.broadcast %jit3A_408 : i32 to vector<512xi32>
    %max3A_411 = arith.maxsi %max3A_410, %convert_element_type3A_407 : vector<512xi32>
    %min3A_412 = vector.broadcast %jit3A_409 : i32 to vector<512xi32>
    %min3A_413 = arith.minsi %min3A_412, %max3A_411 : vector<512xi32>
    %broadcast_in_dim3A_414 = vector.shape_cast %min3A_413 : vector<512xi32> to vector<1x512xi32>
    %swap3A_415 = arith.constant 0 : index
    %swap3A_416 = arith.constant 9 : index
    %swap3A_417 = arith.constant 0 : index
    %swap3A_418 = vector.load %arg8[%swap3A_415, %swap3A_416, %swap3A_417] : memref<1x10x512xi32, #tpu.memory_space<vmem>>, vector<1x1x512xi32>
    %swap3A_419 = vector.shape_cast %swap3A_418 : vector<1x1x512xi32> to vector<1x512xi32>
    %swap3A_420 = vector.shape_cast %broadcast_in_dim3A_414 : vector<1x512xi32> to vector<1x1x512xi32>
    tpu.vector_store %arg8[%swap3A_415, %swap3A_416, %swap3A_417], %swap3A_420 {strides = array<i32>} : memref<1x10x512xi32, #tpu.memory_space<vmem>>, vector<1x1x512xi32>,
    return
  }
  func.func @transform_0(%arg0: i32, %arg1: i32) -> (i32, i32, i32) {
    %c0_i32 = arith.constant 0 : i32
    %c0_i32_0 = arith.constant 0 : i32
    %c0_i32_1 = arith.constant 0 : i32
    return %arg0, %c0_i32, %c0_i32_0 : i32, i32, i32
  }
  func.func @transform_1(%arg0: i32, %arg1: i32) -> (i32, i32, i32) {
    %c0_i32 = arith.constant 0 : i32
    %c0_i32_0 = arith.constant 0 : i32
    return %arg0, %c0_i32, %arg1 : i32, i32, i32
  }
  func.func @transform_2(%arg0: i32, %arg1: i32) -> (i32, i32, i32) {
    %c0_i32 = arith.constant 0 : i32
    %c0_i32_0 = arith.constant 0 : i32
    %c0_i32_1 = arith.constant 0 : i32
    return %arg0, %c0_i32, %c0_i32_0 : i32, i32, i32
  }
  func.func @transform_3(%arg0: i32, %arg1: i32) -> (i32, i32, i32) {
    %c0_i32 = arith.constant 0 : i32
    %c0_i32_0 = arith.constant 0 : i32
    return %arg0, %c0_i32, %arg1 : i32, i32, i32
  }
  func.func @transform_4(%arg0: i32, %arg1: i32) -> (i32, i32, i32) {
    %c0_i32 = arith.constant 0 : i32
    %c0_i32_0 = arith.constant 0 : i32
    return %arg0, %c0_i32, %arg1 : i32, i32, i32
  }
  func.func @transform_5(%arg0: i32, %arg1: i32) -> (i32, i32) {
    %c0_i32 = arith.constant 0 : i32
    %c0_i32_0 = arith.constant 0 : i32
    %c0_i32_1 = arith.constant 0 : i32
    return %c0_i32, %c0_i32_0 : i32, i32
  }
  func.func @transform_6(%arg0: i32, %arg1: i32) -> (i32, i32, i32) {
    %c0_i32 = arith.constant 0 : i32
    %c0_i32_0 = arith.constant 0 : i32
    return %arg0, %c0_i32, %arg1 : i32, i32, i32
  }
  func.func @transform_7(%arg0: i32, %arg1: i32) -> (i32, i32, i32) {
    %c0_i32 = arith.constant 0 : i32
    %c0_i32_0 = arith.constant 0 : i32
    return %arg0, %c0_i32, %arg1 : i32, i32, i32
  }
}

</mosaic_0001>

<sc_bundles>
// kernel: kernel.4.cloned.1.call-start
scs
__scs_entry_jumppad:
0x0: {  	(pc) =	sbr.rel $0x88, $3  }
0x1: {  	(tag) =	ssettag $0x0;
	lr =	simm.s32 $0x1  }
0x2: {  	[smem:$0x3F9E] =	sst lr;
	_ =	strace $0xD0000000  }
0x3: {  	_ = 	snop  }
0x4: {  	_ = 	snop  }
0x5: {  	_ = 	snop  }
0x6: {  	_ = 	snop  }
0x7: {  	_ = 	snop  }
__scs_overlays_trampoline_lowered:
0x8: {  	[smem:$0x3FAD] =	sst s0  }
0x9: {  	[smem:$0x3FAE] =	sst s1  }
0xa: {  	[smem:$0x3FAF] =	sst s2  }
0xb: {  	[smem:$0x3FB0] =	sst s3  }
0xc: {  	[smem:$0x3FB1] =	sst s4  }
0xd: {  	[smem:$0x3FB2] =	sst s5  }
0xe: {  	[smem:$0x3FB3] =	sst s6  }
0xf: {  	[smem:$0x3FB4] =	sst s7  }
0x10: {  	[smem:$0x3FB5] =	sst s8  }
0x11: {  	[smem:$0x3FB6] =	sst s9;
	s0 =	simm.s32 @!p0 $0x0  }
0x12: {  	s1 =	sld [smem:$0x3F9C];
	s0 =	simm.s32 @p0 $0x1  }
0x13: {  	[smem:$0x3FB7] =	sst s0;
	s0 =	simm.s32 @!p1 $0x0  }
0x14: {  	s2 =	sld [smem:$0x3F9B];
	s0 =	simm.s32 @p1 $0x1  }
0x15: {  	[smem:$0x3FB8] =	sst s0;
	s0 =	simm.s32 @!p2 $0x0  }
0x16: {  	s3 =	sld [smem:$0x3FDB];
	s0 =	simm.s32 @p2 $0x1  }
0x17: {  	s4 =	simm.s32 $0x1BF5;
	[smem:$0x3FBA] =	sst s0  }
0x18: {  	s0 =	sld [smem:$0x3F9D];
	_ =	swait.ge [sflag:s4], $0x0  }
0x19: {  	s7 =	sld [smem:$0x3F9E]  }
0x1a: {  	s8 =	sadd.s32 $0xFFFFE003, lr  }
0x1b: {  	s9 =	sadd.s32 $0xFFFFFEF7, lr;
	s5 =	simm.s32 $0xFFFFFFFF;
	p2 =	slt.u32 s8, $0xFFFFF086  }
0x1c: {  	p1 =	slt.u32 s9, $0xF7A;
	s5 =	simm.s32 @!p2 $0x0  }
0x1d: {  	s5 =	simm.s32 @p1 $0x1;
	p0 =	seq.s32 s7, s2  }
0x1e: {  	s7 =	smul.u32 @!p0 $0xF7A, s2;
	p2 =	seq.s32 @!p0 s5, $0x0  }
0x1f: {  	s9 =	smul.u32 $0xF7A, s1;
	s8 =	simm.s32 @!p0 $0x1BF5;
	p2 =	por !p2, p0  }
0x20: {  	[sflag:s8] =	ssyncset.s32 @!p0 $0xFFFFF086;
	s6 =	sadd.s32 @!p0 s3, s7;
	s7 =	simm.s32 @!p0 $0x108  }
0x21: {  	s3 =	sadd.s32 s3, s9;
	s6 =	sadd.s32 @!p0 $0x88, s6;
	s7 =	simm.s32 @p2 $0x1082  }
0x22: {  	[simem:s7], [sflag:s8] =	dma.local @!p0 [hbm:s6], $0xF7A  }
0x23: {  	s9 =	sor.u32 $0xD0000000, s2;
	s6 =	simm.s32 $0x108;
	_ =	swait.ge @!p0 [sflag:s8], $0x0  }
0x24: {  	s3 =	sadd.s32 $0x88, s3;
	s6 =	simm.s32 @!p1 $0x1082;
	[sflag:s4] =	ssyncset.s32 $0xFFFFF086  }
0x25: {  	[simem:s6], [sflag:s4] =	dma.local [hbm:s3], $0xF7A  }
0x26: {  	[smem:$0x3F9E] =	sst s1;
	(tag) =	ssettag s2;
	_ =	strace s9  }
0x27: {  	s1 =	sld [smem:$0x3FAE]  }
0x28: {  	s2 =	sld [smem:$0x3FAF]  }
0x29: {  	s4 =	sld [smem:$0x3FB1]  }
0x2a: {  	p0 =	seq.s32 s5, $0x0;
	s5 =	sld [smem:$0x3FB2]  }
0x2b: {  	s6 =	sld [smem:$0x3FB3]  }
0x2c: {  	s7 =	sld [smem:$0x3FB4]  }
0x2d: {  	s3 =	simm.s32 $0x108;
	s8 =	sld [smem:$0x3FB5]  }
0x2e: {  	s3 =	simm.s32 @!p0 $0x1082;
	s9 =	sld [smem:$0x3FB6]  }
0x2f: {  	lr =	sadd.s32 s0, s3;
	s0 =	sld [smem:$0x3FAD]  }
0x30: {  	s3 =	sld [smem:$0x3FB0]  }
0x31: {  	[smem:$0x3FB9] =	sst s10  }
0x32: {  	s10 =	sld [smem:$0x3FB7];
	_ =	sdelay $0x3  }
0x33: {  	p0 =	seq.s32 s10, $0x1;
	s10 =	sld [smem:$0x3FB9];
	_ =	sdelay $0x3  }
0x34: {  	[smem:$0x3FB9] =	sst s10  }
0x35: {  	s10 =	sld [smem:$0x3FB8];
	_ =	sdelay $0x3  }
0x36: {  	p1 =	seq.s32 s10, $0x1;
	s10 =	sld [smem:$0x3FB9];
	_ =	sdelay $0x3  }
0x37: {  	[smem:$0x3FB9] =	sst s10  }
0x38: {  	s10 =	sld [smem:$0x3FBA]  }
0x39: {  	_ = 	snop;
	(pc) =	sbr.ind lr, $3  }
0x3a: {  	_ = 	snop  }
0x3b: {  	_ = 	snop  }
0x3c: {  	p2 =	seq.s32 s10, $0x1;
	s10 =	sld [smem:$0x3FB9]  }
0x3d: {  	_ =	shalt  }
0x3e: {  	_ =	shalt  }
0x3f: {  	_ =	shalt  }
0x40: {  	_ =	shalt  }
0x41: {  	_ =	shalt  }
0x42: {  	_ =	shalt  }
0x43: {  	_ =	shalt  }
0x44: {  	_ =	shalt  }
0x45: {  	_ =	shalt  }
0x46: {  	_ =	shalt  }
0x47: {  	_ =	shalt  }
0x48: {  	_ =	shalt  }
0x49: {  	_ =	shalt  }
0x4a: {  	_ =	shalt  }
0x4b: {  	_ =	shalt  }
0x4c: {  	_ =	shalt  }
0x4d: {  	_ =	shalt  }
0x4e: {  	_ =	shalt  }
0x4f: {  	_ =	shalt  }
0x50: {  	_ =	shalt  }
0x51: {  	_ =	shalt  }
0x52: {  	_ =	shalt  }
0x53: {  	_ =	shalt  }
0x54: {  	_ =	shalt  }
0x55: {  	_ =	shalt  }
0x56: {  	_ =	shalt  }
0x57: {  	_ =	shalt  }
0x58: {  	_ =	shalt  }
0x59: {  	_ =	shalt  }
0x5a: {  	_ =	shalt  }
0x5b: {  	_ =	shalt  }
0x5c: {  	_ =	shalt  }
0x5d: {  	_ =	shalt  }
0x5e: {  	_ =	shalt  }
0x5f: {  	_ =	shalt  }
0x60: {  	_ =	shalt  }
0x61: {  	_ =	shalt  }
0x62: {  	_ =	shalt  }
0x63: {  	_ =	shalt  }
0x64: {  	_ =	shalt  }
0x65: {  	_ =	shalt  }
0x66: {  	_ =	shalt  }
0x67: {  	_ =	shalt  }
0x68: {  	_ =	shalt  }
0x69: {  	_ =	shalt  }
0x6a: {  	_ =	shalt  }
0x6b: {  	_ =	shalt  }
0x6c: {  	_ =	shalt  }
0x6d: {  	_ =	shalt  }
0x6e: {  	_ =	shalt  }
0x6f: {  	_ =	shalt  }
0x70: {  	_ =	shalt  }
0x71: {  	_ =	shalt  }
0x72: {  	_ =	shalt  }
0x73: {  	_ =	shalt  }
0x74: {  	_ =	shalt  }
0x75: {  	_ =	shalt  }
0x76: {  	_ =	shalt  }
0x77: {  	_ =	shalt  }
0x78: {  	_ =	shalt  }
0x79: {  	_ =	shalt  }
0x7a: {  	_ =	shalt  }
0x7b: {  	_ =	shalt  }
0x7c: {  	_ =	shalt  }
0x7d: {  	_ =	shalt  }
0x7e: {  	_ =	shalt  }
0x7f: {  	_ =	shalt  }
0x80: {  	_ =	shalt  }
0x81: {  	_ =	shalt  }
0x82: {  	_ =	shalt  }
0x83: {  	_ =	shalt  }
0x84: {  	_ =	shalt  }
0x85: {  	_ =	shalt  }
0x86: {  	_ =	shalt  }
0x87: {  	_ =	shalt  }
.Lfunc_end0:
.L_simem_size_0:
called_computation.1_lowered:
.L_overlay_start_0:
0x88: {  	s2 =	sld [smem:$0x3FD9]  }
0x89: {  	s3 =	sld [smem:$0x3FFE];
	_ =	sdelay $0x1  }
0x8a: {  	s1 =	srdreg.scid  }
0x8b: {  	s0 =	sand.u32 $0x1, s1  }
0x8c: {  	s14 =	sshll.u32 s0, $0xA;
	s2 =	sadd.s32 s3, s2  }
0x8d: {  	s2 =	sadd.s32 s2, s14  }
0x8e: {  	[smem:$0x3FC5] =	sst s2  }
0x8f: {  	_ = 	snop  }
0x90: {  	s2 =	sld [smem:$0x3FD0];
	_ =	sdelay $0x2  }
0x91: {  	s15 =	simm.s32 $0xA;
	s4 =	simm.s32 $0x10  }
0x92: {  	[smem:s4], [sflag:s15] =	dma.local [hbm:s2], $0x1  }
0x93: {  	_ =	swait.eq [sflag:s15], $0x1  }
0x94: {  	[sflag:s15] =	ssyncset.done $0x0  }
0x95: {  	[sflag:s15] =	ssyncadd.s32 $0xFFFFFFFF  }
0x96: {  	s16 =	sld [smem:$0x11];
	(tm) =	ssettm $0x1  }
0x97: {  	s17 =	sld [smem:$0x3FFB];
	_ =	sdelay $0x3  }
0x98: {  	_ =	strace s17  }
0x99: {  	s3 =	sld [smem:$0x3FFC];
	_ =	sdelay $0x3  }
0x9a: {  	_ =	strace s3  }
0x9b: {  	s3 =	sld [smem:$0x3FFD];
	_ =	sdelay $0x3  }
0x9c: {  	_ =	strace s3  }
0x9d: {  	_ =	strace $0x8FFFFFFF  }
0x9e: {  	s18 =	sld [smem:$0x3FDB];
	_ =	sdelay $0x1  }
0x9f: {  	s19 =	simm.s32 $_scs_section_size  }
0xa0: {  	s5 =	simm.s32 $_size__tile_overlayer_lowered;
	s6 =	simm.s32 $_tile_overlayer_lowered  }
0xa1: {  	s22 =	simm.s32 $0x1BFF;
	s21 =	sshll.u32 s6, $0x1;
	s3 =	sadd.s32 s19, s18  }
0xa2: {  	s7 =	simm.s32 $0x0;
	s20 =	sshll.u32 s5, $0x1;
	s5 =	sadd.s32 s21, s3  }
0xa3: {  	[timem:s7], [sflag:s22] =	dma.local [hbm:s5], s20  }
0xa4: {  	_ =	swait.ge [sflag:s22], s20  }
0xa5: {  	s4 =	ssub.s32 $0x0, s20;
	[sflag:s22] =	ssyncset.done $0x0  }
0xa6: {  	[sflag:s22] =	ssyncadd.s32 s4;
	_ =	sdelay $0x1  }
0xa7: {  	s23 =	simm.s32 $0x1B8B  }
0xa8: {  	_ =	swait.ge [sflag:s23], $0x1  }
0xa9: {  	[sflag:s23] =	ssyncset.done $0x0  }
0xaa: {  	s25 =	simm.s32 $0x1B8E;
	s24 =	sld [smem:$0x3FFE];
	[sflag:s23] =	ssyncadd.s32 $0xFFFFFFFF  }
0xab: {  	s26 =	simm.s32 $execute0_lowered;
	[smem:$0x3FD2] =	sst s25  }
0xac: {  	s5 =	sshll.u32 s26, $0x1;
	_ =	strace $0x80000049;
	[dreg:$0x1] =	wrdreg $0xFFFFFFFF  }
0xad: {  	s28 =	simm.s32 $_size_execute0_lowered;
	s3 =	sadd.s32 s3, s5;
	[dreg:$0x0] =	wrdreg $0x0  }
0xae: {  	s5 =	sshll.u32 s28, $0x1;
	[dreg:$0x2] =	wrdreg s3  }
0xaf: {  	[dreg:$0x3] =	wrdreg s5  }
0xb0: {  	[dreg:$0x4] =	wrdreg $0xC0  }
0xb1: {  	_ =	task [dreg:s7], $0x5FFFF  }
0xb2: {  	[dreg:$0x1] =	wrdreg $0xFFFFFFFF  }
0xb3: {  	[dreg:$0x0] =	wrdreg $0x60  }
0xb4: {  	[dreg:$0x2] =	wrdreg s24  }
0xb5: {  	[dreg:$0x3] =	wrdreg s16  }
0xb6: {  	[dreg:$0x4] =	wrdreg $0x9  }
0xb7: {  	_ =	task.clear_ibuf [dreg:s7], $0x5FFFF;
	_ =	strace $0x90000049  }
0xb8: {  	s29 =	simm.s32 $0x9;
	_ =	strace $0x8000004B  }
0xb9: {  	_ =	swait.ge [sflag:s29], $0x1  }
0xba: {  	[sflag:s29] =	ssyncadd.s32 $0xFFFFFFFF  }
0xbb: {  	_ =	strace $0x9000004B  }
0xbc: {  	_ =	sfence  }
0xbd: {  	s30 =	sld [smem:$0x0];
	_ =	sdelay $0x2  }
0xbe: {  	s31 =	sshll.u32 s1, $0xD;
	s1 =	sshrl.u32 s1, $0x2  }
0xbf: {  	s3 =	sand.u32 $0x4000, s31;
	s1 =	sadd.s32 s1, s30  }
0xc0: {  	s0 =	sor.u32 s3, s0;
	s1 =	sshll.u32 s1, $0x11  }
0xc1: {  	s0 =	sor.u32 s1, s0  }
0xc2: {  	s0 =	sadd.s32 $0x8F2B, s0  }
0xc3: {  	[sflag:s0] =	ssyncadd.remote.s32 $0x1  }
0xc4: {  	_ =	sfence.sel $0xFFFF  }
0xc5: {  	[dreg:$0x0] =	wrdreg $0xFFFFFFFF;
	(pc) =	sbr.abs _section_cstart, $3  }
0xc6: {  	[dreg:$0x1] =	wrdreg $0xFFFFFFFF  }
0xc7: {  	_ =	task.clear_ibuf [dreg:s7], $0x2FFFF;
	_ =	strace $0x9FFFFFFF  }
0xc8: {  	(tm) =	ssettm $0x7FFFFFFF  }
0xc9: {  	_ =	shalt  }
tec
execute0_lowered:
.L_overlay_start_1:
0x0: {  	(tag) =	ssettag $0x1  }
0x1: {  	s1 =	srdreg.scid;
	s0 =	stileid.u32  }
0x2: {  	s8 =	rddreg [dreg:$0x0];
	s6 =	sand.u32 $0x1, s1;
	s30 =	sshll.u32 s0, $0x1  }
0x3: {  	s3 =	rddreg [dreg:$0x1];
	s2 =	simm.s32 $0x0;
	s4 =	sor.u32 s6, s30  }
0x4: {  	[smem:$0x7FF] =	sst s2;
	s9 =	smul.u32 $0x140, s4  }
0x5: {  	s7 =	simm.s32 $0x1;
	s1 =	rddreg [dreg:$0x2];
	_ =	strace $0x8000004A  }
0x6: {  	s10 =	ssub.s32 $0x2, s6;
	s4 =	sadd.s32 s3, s9;
	s3 =	simm.s32 $0x2  }
0x7: {  	[tilespmem:s2], [sflag:$0x2] =	stream.linear.gather [hbm4b:s4+s2], $0xA00, $0x38;
	[tilespmem:$0x1400] =	vst v63  }
0x8: {  	s5 =	sadd.s32 $0x201000, s8;
	s11 =	sshrl.u32 s10, $0x1;
	_ =	swait.ge [sflag:s3], $0xA00  }
0x9: {  	s6 =	simm.s32 $0xA00;
	s31 =	ssub.s32 s10, s11;
	[sflag:s3] =	ssyncset.done $0x0  }
0xa: {  	s8 =	sadd.s32 s9, s8;
	s9 =	smax.u32 s31, $0x1;
	[sflag:s3] =	ssyncadd.s32 $0xFFFFF600  }
0xb: {  	[tilespmem:s6], [sflag:$0x1] =	stream.indirect.gather [hbm4b:s5+s6], $0x1, s2, s6, $0xb8;
	[tilespmem:$0x1400] =	vst v63  }
0xc: {  	p0 =	sne.s32 s9, $0x1;
	_ =	swait.ge [sflag:s7], $0xA00  }
.Ltmp0:
0xd: {  	[sflag:s7] =	ssyncset.done $0x0;
	(pc) =	sbr.rel @!p0 .LBB2_2-.Ltmp0, $4  }
0xe: {  	s8 =	sadd.s32 $0x1000, s8;
	[sflag:s7] =	ssyncadd.s32 $0xFFFFF600  }
0xf: {  	[hbm4b:s8+s2] =	stream.linear.scatter [tilespmem:s6], [sflag:$0x2], $0xA00, $0x38;
	[tilespmem:$0x1400] =	vst v63  }
0x10: {  	_ =	swait.ge [sflag:s3], $0xA00  }
0x11: {  	s9 =	sadd.s32 $0xFFFFFFFF, s9;
	[sflag:s3] =	ssyncset.done $0x0  }
.LBB2_1:
0x12: {  	p0 =	sne.s32 s9, $0x1;
	s9 =	sadd.s32 $0xFFFFFFFF, s9;
	[sflag:s3] =	ssyncadd.s32 $0xFFFFF600  }
0x13: {  	[tilespmem:s2], [sflag:$0x2] =	stream.linear.gather [hbm4b:s4+s2], $0xA00, $0x38;
	[tilespmem:$0x1400] =	vst v63  }
0x14: {  	_ =	swait.ge [sflag:s3], $0xA00  }
0x15: {  	[sflag:s3] =	ssyncset.done $0x0  }
0x16: {  	[sflag:s3] =	ssyncadd.s32 $0xFFFFF600  }
0x17: {  	[tilespmem:s6], [sflag:$0x1] =	stream.indirect.gather [hbm4b:s5+s6], $0x1, s2, s6, $0xb8;
	[tilespmem:$0x1400] =	vst v63  }
0x18: {  	_ =	swait.ge [sflag:s7], $0xA00  }
.Ltmp1:
0x19: {  	[sflag:s7] =	ssyncset.done $0x0;
	(pc) =	sbr.rel @p0 .LBB2_1-.Ltmp1, $4  }
0x1a: {  	[sflag:s7] =	ssyncadd.s32 $0xFFFFF600  }
0x1b: {  	[hbm4b:s8+s2] =	stream.linear.scatter [tilespmem:s6], [sflag:$0x2], $0xA00, $0x38;
	[tilespmem:$0x1400] =	vst v63  }
0x1c: {  	_ =	swait.ge [sflag:s3], $0xA00  }
0x1d: {  	[sflag:s3] =	ssyncset.done $0x0  }
.LBB2_2:
0x1e: {  	[sflag:s3] =	ssyncadd.s32 $0xFFFFF600  }
0x1f: {  	_ =	sfence.sel $0x180000  }
0x20: {  	[bflag:$0x0] =	sbarrier.arrive $0xFFFF  }
0x21: {  	p0 =	sne.s32 s0, $0x0;
	_ =	strace $0x9000004A  }
0x22: {  	s0 =	sadd.s32 @!p0 $0x100000, s1;
	[bflag:$0x2] =	sbarrier.arrive $0xFFFF  }
0x23: {  	[sflag:s0] =	ssyncadd.tile.s32 @!p0 $0x1;
	_ =	shalt  }
.Lfunc_end2:
_tile_overlayer_lowered:
.L_overlay_start_2:
0x24: {  	(tag) =	ssettag $0x2  }
0x25: {  	s0 =	rddreg [dreg:$0x0];
	s2 =	stileid.u32  }
0x26: {  	s1 =	rddreg [dreg:$0x1];
	p0 =	sne.s32 s2, $0x0  }
0x27: {  	s3 =	rddreg [dreg:$0x2];
	[bflag:$0x3] =	sbarrier.arrive $0xFFFF;
	s2 =	simm.s32 @!p0 $0x1C02  }
0x28: {  	[timem:s3], [sflag:s2] =	dma.local @!p0 [hbm:s0], s1  }
0x29: {  	s0 =	simm.s32 @!p0 $0x2  }
0x2a: {  	_ =	swait.ge @!p0 [sflag:s0], s1  }
0x2b: {  	s1 =	ssub.s32 @!p0 $0x0, s1;
	[sflag:s0] =	ssyncset.done @!p0 $0x0  }
0x2c: {  	[sflag:s0] =	ssyncadd.s32 @!p0 s1  }
0x2d: {  	[bflag:$0x3] =	sbarrier.arrive $0xFFFF  }
0x2e: {  	_ =	shalt  }

// kernel: sparse-core-data-format-call.cloned.1.call-start
scs
called_computation_lowered:
.L_overlay_start_0:
0x0: {  	s1 =	sld [smem:$0x3FD9]  }
0x1: {  	s2 =	sld [smem:$0x3FFE];
	_ =	sdelay $0x1  }
0x2: {  	s3 =	srdreg.scid  }
0x3: {  	s0 =	sand.u32 $0x1, s3  }
0x4: {  	s17 =	sshll.u32 s0, $0xA;
	s1 =	sadd.s32 s2, s1  }
0x5: {  	s1 =	sadd.s32 s1, s17  }
0x6: {  	[smem:$0x3FC5] =	sst s1  }
0x7: {  	_ = 	snop  }
0x8: {  	(tm) =	ssettm $0x1  }
0x9: {  	s18 =	sld [smem:$0x3FFB];
	_ =	sdelay $0x3  }
0xa: {  	_ =	strace s18  }
0xb: {  	s1 =	sld [smem:$0x3FFC];
	_ =	sdelay $0x3  }
0xc: {  	_ =	strace s1  }
0xd: {  	s1 =	sld [smem:$0x3FFD];
	_ =	sdelay $0x3  }
0xe: {  	_ =	strace s1  }
0xf: {  	_ =	strace $0x8FFFFFFF  }
0x10: {  	s19 =	sld [smem:$0x3FDB];
	_ =	sdelay $0x1  }
0x11: {  	s20 =	simm.s32 $_scs_section_size  }
0x12: {  	s4 =	simm.s32 $_size__tile_overlayer_lowered;
	s5 =	simm.s32 $_tile_overlayer_lowered  }
0x13: {  	s23 =	simm.s32 $0x1BFF;
	s22 =	sshll.u32 s5, $0x1;
	s1 =	sadd.s32 s20, s19  }
0x14: {  	s6 =	simm.s32 $0x0;
	s21 =	sshll.u32 s4, $0x1;
	s4 =	sadd.s32 s22, s1  }
0x15: {  	[timem:s6], [sflag:s23] =	dma.local [hbm:s4], s21  }
0x16: {  	_ =	swait.ge [sflag:s23], s21  }
0x17: {  	s2 =	ssub.s32 $0x0, s21;
	[sflag:s23] =	ssyncset.done $0x0  }
0x18: {  	[sflag:s23] =	ssyncadd.s32 s2;
	_ =	sdelay $0x1  }
0x19: {  	s24 =	simm.s32 $0x1B8B  }
0x1a: {  	_ =	swait.ge [sflag:s24], $0x1  }
0x1b: {  	[sflag:s24] =	ssyncset.done $0x0  }
0x1c: {  	s26 =	simm.s32 $0x1B8E;
	s25 =	sld [smem:$0x3FFE];
	[sflag:s24] =	ssyncadd.s32 $0xFFFFFFFF  }
0x1d: {  	s27 =	simm.s32 $execute0_lowered;
	[smem:$0x3FD2] =	sst s26  }
0x1e: {  	s4 =	sshll.u32 s27, $0x1;
	_ =	strace $0x80000046;
	[dreg:$0x1] =	wrdreg $0xFFFFFFFF  }
0x1f: {  	s28 =	simm.s32 $_size_execute0_lowered;
	s1 =	sadd.s32 s1, s4;
	[dreg:$0x0] =	wrdreg $0x0  }
0x20: {  	s4 =	sshll.u32 s28, $0x1;
	[dreg:$0x2] =	wrdreg s1  }
0x21: {  	[dreg:$0x3] =	wrdreg s4  }
0x22: {  	[dreg:$0x4] =	wrdreg $0xC0  }
0x23: {  	_ =	task [dreg:s6], $0x5FFFF  }
0x24: {  	[dreg:$0x1] =	wrdreg $0xFFFFFFFF  }
0x25: {  	[dreg:$0x0] =	wrdreg $0x60  }
0x26: {  	[dreg:$0x2] =	wrdreg s25  }
0x27: {  	[dreg:$0x3] =	wrdreg $0x9  }
0x28: {  	_ =	task.clear_ibuf [dreg:s6], $0x4FFFF;
	_ =	strace $0x90000046  }
0x29: {  	s29 =	simm.s32 $0x9;
	_ =	strace $0x80000048  }
0x2a: {  	_ =	swait.ge [sflag:s29], $0x1  }
0x2b: {  	[sflag:s29] =	ssyncadd.s32 $0xFFFFFFFF  }
0x2c: {  	_ =	strace $0x90000048  }
0x2d: {  	_ =	sfence  }
0x2e: {  	s30 =	sld [smem:$0x0];
	_ =	sdelay $0x2  }
0x2f: {  	s31 =	sshll.u32 s3, $0xD;
	s3 =	sshrl.u32 s3, $0x2  }
0x30: {  	s2 =	sand.u32 $0x4000, s31;
	s1 =	sadd.s32 s3, s30  }
0x31: {  	s0 =	sor.u32 s2, s0;
	s1 =	sshll.u32 s1, $0x11  }
0x32: {  	s0 =	sor.u32 s1, s0  }
0x33: {  	s0 =	sadd.s32 $0x8F2B, s0  }
0x34: {  	[sflag:s0] =	ssyncadd.remote.s32 $0x1  }
0x35: {  	_ =	sfence.sel $0xFFFF  }
0x36: {  	[dreg:$0x0] =	wrdreg $0xFFFFFFFF;
	(pc) =	sbr.abs _section_cstart, $3  }
0x37: {  	[dreg:$0x1] =	wrdreg $0xFFFFFFFF  }
0x38: {  	_ =	task.clear_ibuf [dreg:s6], $0x2FFFF;
	_ =	strace $0x9FFFFFFF  }
0x39: {  	(tm) =	ssettm $0x7FFFFFFF  }
tec
execute0_lowered:
.L_overlay_start_1:
0x0: {  	(tag) =	ssettag $0x1  }
0x1: {  	s1 =	rddreg [dreg:$0x0]  }
0x2: {  	s0 =	rddreg [dreg:$0x1]  }
0x3: {  	_ =	strace $0x80000047;
	s4 =	srdreg.scid;
	s6 =	simm.s32 $0x2  }
.Ltmp0:
0x4: {  	p0 =	por $0x0, $0x0;
	s9 =	simm.s32 $0x0;
	(pc) =	sbr.rel .LBB1_1-.Ltmp0, $4  }
0x5: {  	s2 =	sadd.s32 $0x1000, s1;
	s3 =	sadd.s32 $0x201000, s1;
	s5 =	sshll.u32 s4, $0x4  }
0x6: {  	s1 =	stileid.u32;
	s4 =	simm.s32 $0x1;
	s5 =	sand.u32 $0x10, s5  }
0x7: {  	s7 =	simm.s32 $0x0;
	[sflag:s4] =	ssyncpa.u1 $0x0;
	s5 =	sor.u32 s1, s5  }
0x8: {  	[sflag:s6] =	ssyncpa.u1 $0x0;
	s6 =	simm.s32 $0x0;
	s8 =	smov.u32 s5  }
.LBB1_7:
0x9: {  	s11 =	sadd.s32 $0x20, s8  }
0xa: {  	p1 =	slt.u32 s7, $0x2;
	s7 =	sadd.s32 $0x1, s7;
	p2 =	sgt.s32 s11, $0x3FF  }
0xb: {  	s11 =	smov.u32 @p2 s5;
	p2 =	sne.s32 s7, $0x22  }
.Ltmp1:
0xc: {  	_ = 	snop;
	(pc) =	sbr.rel @!p2 .LBB1_8-.Ltmp1, $4  }
0xd: {  	s10 =	simm.s32 @!p1 $0x2  }
0xe: {  	_ =	swait.ge @!p1 [sflag:s10], $0x4000  }
0xf: {  	s9 =	smov.u32 s8;
	[sflag:s10] =	ssyncset.done @!p1 $0x0  }
0x10: {  	p0 =	por !p0, !p0;
	s8 =	smov.u32 s11;
	[sflag:s10] =	ssyncadd.s32 @!p1 $0xFFFFC000  }
.LBB1_1:
0x11: {  	p1 =	sgt.u32 s7, $0x1F  }
0x12: {  	s10 =	sxor.u32 @!p1 $0xFFFFFFFF, s7  }
0x13: {  	s11 =	sshll.u32 @!p1 s8, $0xB;
	s10 =	sshll.u32 @!p1 s10, $0xE  }
0x14: {  	s12 =	simm.s32 @!p1 $0x0;
	s11 =	sadd.s32 @!p1 s2, s11;
	s10 =	sand.u32 @!p1 $0x4000, s10  }
0x15: {  	[tilespmem:s10], [sflag:$0x1] =	stream.linear.gather @!p1 [hbm4b:s11+s12], $0x4000, $0x38;
	[tilespmem:$0x10000] =	vst v63  }
0x16: {  	p1 =	seq.s32 s7, $0x0  }
0x17: {  	p2 =	seq.s32 @!p1 s7, $0x21  }
0x18: {  	p1 =	por p1, p2  }
.Ltmp2:
0x19: {  	_ = 	snop;
	(pc) =	sbr.rel @p1 .LBB1_7-.Ltmp2, $1  }
0x1a: {  	_ =	sdelay $0x3  }
0x1b: {  	s10 =	simm.s32 $0x1;
	_ =	swait.ge [sflag:s4], $0x4000;
	s12 =	sshll.u32 s7, $0xE  }
0x1c: {  	s13 =	simm.s32 $0x0;
	s10 =	simm.s32 @!p0 $0x0;
	[sflag:s4] =	ssyncset.done $0x0  }
0x1d: {  	s12 =	sand.u32 $0x4000, s12;
	s11 =	sshll.u32 s10, $0xE;
	[sflag:s4] =	ssyncadd.s32 $0xFFFFC000  }
0x1e: {  	s12 =	sor.u32 $0x8000, s12;
	s10 =	sor.u32 $0x8040, s11;
	s11 =	sor.u32 $0x40, s11  }
.LBB1_3:
0x1f: {  	v0 =	vmov s11;
	_ =	sdelay $0x3  }
0x20: {  	s15 =	simm.s32 $0x0  }
0x21: {  	v6 =	vld.idx.msk [tilespmem:v0+s15+$0x30 ss:$0x1], $0xffff  }
0x22: {  	v7 =	vld.idx.msk [tilespmem:v0+s15+$0xFFFFFFC0 ss:$0x1], $0xffff  }
0x23: {  	v5 =	vld.idx.msk [tilespmem:v0+s15+$0xFFFFFFD0 ss:$0x1], $0xffff  }
0x24: {  	v4 =	vld.idx.msk [tilespmem:v0+s15+$0xFFFFFFE0 ss:$0x1], $0xffff  }
0x25: {  	v3 =	vld.idx.msk [tilespmem:v0+s15+$0xFFFFFFF0 ss:$0x1], $0xffff  }
0x26: {  	v1 =	vld.idx.msk [tilespmem:v0+s15+$0x0 ss:$0x1], $0xffff  }
0x27: {  	v2 =	vld.idx.msk [tilespmem:v0+s15+$0x10 ss:$0x1], $0xffff;
	[tilespmem:s10+$0x30] =	vst v6  }
0x28: {  	s14 =	simm.s32 $0x80;
	s16 =	simm.s32 $0x400;
	[tilespmem:s10+$0xFFFFFFC0] =	vst v7;
	v6 =	vld.idx.msk [tilespmem:v0+s15+$0x20 ss:$0x1], $0xffff;
	s15 =	smov.u32 s10  }
.LBB1_4:
0x29: {  	p1 =	sne.s32 s16, $0xE00;
	v7 =	vld.idx.msk [tilespmem:v0+s14+$0x30 ss:$0x1], $0xffff;
	[tilespmem:s15+$0xFFFFFFD0] =	vst v5  }
0x2a: {  	v8 =	vld.idx.msk [tilespmem:v0+s14+$0xFFFFFFC0 ss:$0x1], $0xffff;
	[tilespmem:s15+$0xFFFFFFE0] =	vst v4  }
0x2b: {  	v5 =	vld.idx.msk [tilespmem:v0+s14+$0xFFFFFFD0 ss:$0x1], $0xffff;
	[tilespmem:s15+$0xFFFFFFF0] =	vst v3  }
.Ltmp3:
0x2c: {  	v4 =	vld.idx.msk [tilespmem:v0+s14+$0xFFFFFFE0 ss:$0x1], $0xffff;
	[tilespmem:s15+$0x0] =	vst v1;
	(pc) =	sbr.rel @p1 .LBB1_4-.Ltmp3, $4  }
0x2d: {  	v3 =	vld.idx.msk [tilespmem:v0+s14+$0xFFFFFFF0 ss:$0x1], $0xffff;
	[tilespmem:s15+$0x10] =	vst v2  }
0x2e: {  	v1 =	vld.idx.msk [tilespmem:v0+s14+$0x0 ss:$0x1], $0xffff;
	[tilespmem:s15+$0x20] =	vst v6;
	s15 =	sadd.s32 $0x800, s15  }
0x2f: {  	v2 =	vld.idx.msk [tilespmem:v0+s14+$0x10 ss:$0x1], $0xffff;
	[tilespmem:s15+$0x30] =	vst v7  }
0x30: {  	[tilespmem:s15+$0xFFFFFFC0] =	vst v8;
	v6 =	vld.idx.msk [tilespmem:v0+s14+$0x20 ss:$0x1], $0xffff;
	s14 =	sshra.s32 s16, $0x2;
	s16 =	sadd.s32 $0x200, s16  }
0x31: {  	_ =	sdelay $0x2  }
0x32: {  	[tilespmem:s15+$0xFFFFFFD0] =	vst v5  }
0x33: {  	v56 =	vld.idx.msk [tilespmem:v0+s14+$0x30 ss:$0x1], $0xffff;
	[tilespmem:s15+$0xFFFFFFE0] =	vst v4  }
0x34: {  	v57 =	vld.idx.msk [tilespmem:v0+s14+$0xFFFFFFC0 ss:$0x1], $0xffff;
	[tilespmem:s15+$0xFFFFFFF0] =	vst v3  }
0x35: {  	v58 =	vld.idx.msk [tilespmem:v0+s14+$0xFFFFFFD0 ss:$0x1], $0xffff;
	[tilespmem:s15+$0x0] =	vst v1  }
0x36: {  	v59 =	vld.idx.msk [tilespmem:v0+s14+$0xFFFFFFE0 ss:$0x1], $0xffff;
	[tilespmem:s15+$0x10] =	vst v2  }
0x37: {  	v60 =	vld.idx.msk [tilespmem:v0+s14+$0xFFFFFFF0 ss:$0x1], $0xffff;
	s31 =	sadd.s32 $0x800, s15;
	[tilespmem:s15+$0x20] =	vst v6  }
0x38: {  	v61 =	vld.idx.msk [tilespmem:v0+s14+$0x0 ss:$0x1], $0xffff;
	[tilespmem:s31+$0x30] =	vst v56  }
0x39: {  	v62 =	vld.idx.msk [tilespmem:v0+s14+$0x10 ss:$0x1], $0xffff;
	s13 =	sadd.s32 $0x1, s13;
	[tilespmem:s31+$0xFFFFFFC0] =	vst v57  }
0x3a: {  	v63 =	vld.idx.msk [tilespmem:v0+s14+$0x20 ss:$0x1], $0xffff;
	p1 =	sne.s32 s13, $0x10;
	[tilespmem:s31+$0xFFFFFFD0] =	vst v58  }
.Ltmp4:
0x3b: {  	[tilespmem:s31+$0xFFFFFFE0] =	vst v59;
	(pc) =	sbr.rel @p1 .LBB1_3-.Ltmp4, $4  }
0x3c: {  	[tilespmem:s31+$0xFFFFFFF0] =	vst v60  }
0x3d: {  	[tilespmem:s31+$0x0] =	vst v61  }
0x3e: {  	[tilespmem:s31+$0x10] =	vst v62  }
0x3f: {  	s10 =	sadd.s32 $0x80, s10;
	s11 =	sadd.s32 $0x400, s11;
	[tilespmem:s31+$0x20] =	vst v63  }
.Ltmp5:
0x40: {  	(pc) =	sbr.rel .LBB1_7-.Ltmp5, $4  }
0x41: {  	_ = 	snop  }
0x42: {  	s9 =	sshll.u32 s9, $0xB  }
0x43: {  	s9 =	sadd.s32 s3, s9  }
0x44: {  	[hbm4b:s9+s6] =	stream.linear.scatter [tilespmem:s12], [sflag:$0x2], $0x4000, $0x38;
	[tilespmem:$0x10000] =	vst v63  }
.LBB1_8:
0x45: {  	_ =	sfence.sel $0x180000  }
0x46: {  	s2 =	simm.s32 $0x1;
	[bflag:$0x0] =	sbarrier.arrive $0xFFFF  }
0x47: {  	s31 =	simm.s32 $0x2;
	[sflag:s2] =	ssyncpa.u1 $0x1  }
0x48: {  	[sflag:s31] =	ssyncpa.u1 $0x1  }
0x49: {  	p0 =	sne.s32 s1, $0x0;
	_ =	strace $0x90000047  }
0x4a: {  	s0 =	sadd.s32 @!p0 $0x100000, s0;
	[bflag:$0x2] =	sbarrier.arrive $0xFFFF  }
0x4b: {  	[sflag:s0] =	ssyncadd.tile.s32 @!p0 $0x1;
	_ =	shalt  }
.Lfunc_end1:
_tile_overlayer_lowered:
.L_overlay_start_2:
0x4c: {  	(tag) =	ssettag $0x2  }
0x4d: {  	s0 =	rddreg [dreg:$0x0];
	s2 =	stileid.u32  }
0x4e: {  	s1 =	rddreg [dreg:$0x1];
	p0 =	sne.s32 s2, $0x0  }
0x4f: {  	s3 =	rddreg [dreg:$0x2];
	[bflag:$0x3] =	sbarrier.arrive $0xFFFF;
	s2 =	simm.s32 @!p0 $0x1C01  }
0x50: {  	[timem:s3], [sflag:s2] =	dma.local @!p0 [hbm:s0], s1  }
0x51: {  	s0 =	simm.s32 @!p0 $0x1  }
0x52: {  	_ =	swait.ge @!p0 [sflag:s0], s1  }
0x53: {  	s1 =	ssub.s32 @!p0 $0x0, s1;
	[sflag:s0] =	ssyncset.done @!p0 $0x0  }
0x54: {  	[sflag:s0] =	ssyncadd.s32 @!p0 s1  }
0x55: {  	[bflag:$0x3] =	sbarrier.arrive $0xFFFF  }
0x56: {  	_ =	shalt  }

</sc_bundles>
